<compile_context>
chip_gen: v7x
topology: tpu7x:2x2x1
jax: 0.10.2.dev20260603
libtpu: 0.0.44.dev20260713+nightly
codegen_flags: <defaults>
</compile_context>

<pallas_src>
import functools

import jax
import jax.numpy as jnp
from jax import lax
from jax.experimental import pallas as pl
from jax.experimental.pallas import tpu as pltpu
from jax.experimental.pallas import tpu_sc as plsc

N_PTS = 10000
H_NB = 32
K_KP = 15
K_PAD = 16
C_IN = 128
C_OUT = 128
SIGMA = 1.0

SC_CORES = 2
SC_SUBCORES = 16
SC_WORKERS = SC_CORES * SC_SUBCORES
ROWS_TOTAL = N_PTS * H_NB
CHUNK = 128
N_CHUNKS = ROWS_TOTAL // CHUNK

MB = 400
GRID = N_PTS // MB
GROUPS = MB // 4
ROWS_PER_TILE = MB * H_NB


def _sc_gather(feats_hbm, sx_hbm, sy_hbm, sz_hbm, qx_hbm, qy_hbm, qz_hbm,
               idx_hbm, outg_hbm, outc_hbm,
               idx_v, xt, yt, zt, qxt, qyt, qzt, fbuf, cbuf, s1):
    wid = lax.axis_index("s") * SC_CORES + lax.axis_index("c")
    pltpu.sync_copy(sx_hbm, xt)
    pltpu.sync_copy(sy_hbm, yt)
    pltpu.sync_copy(sz_hbm, zt)
    pltpu.sync_copy(qx_hbm, qxt)
    pltpu.sync_copy(qy_hbm, qyt)
    pltpu.sync_copy(qz_hbm, qzt)

    lane = lax.iota(jnp.int32, 16)
    ones16 = jnp.ones((16,), jnp.float32)
    zeros16 = jnp.zeros((16,), jnp.float32)

    def init(t, _):
        cbuf[6, pl.ds(t * 16, 16)] = ones16
        cbuf[7, pl.ds(t * 16, 16)] = zeros16
        return 0

    lax.fori_loop(0, CHUNK // 16, init, 0)

    def body(j, _):
        chunk = wid + j * SC_WORKERS
        off = chunk * CHUNK
        pltpu.sync_copy(idx_hbm.at[pl.ds(off, CHUNK)], idx_v)
        c1 = pltpu.async_copy(feats_hbm.at[idx_v], fbuf, s1)

        def pstep(t, _):
            iv = idx_v[pl.ds(t * 16, 16)]
            qiv = lax.shift_right_logical(off + t * 16 + lane, 5)
            cx = plsc.load_gather(xt, [iv]) - plsc.load_gather(qxt, [qiv])
            cy = plsc.load_gather(yt, [iv]) - plsc.load_gather(qyt, [qiv])
            cz = plsc.load_gather(zt, [iv]) - plsc.load_gather(qzt, [qiv])
            sl = pl.ds(t * 16, 16)
            cbuf[0, sl] = cx
            cbuf[1, sl] = cy
            cbuf[2, sl] = cz
            cbuf[3, sl] = cx * cx
            cbuf[4, sl] = cy * cy
            cbuf[5, sl] = cz * cz
            return 0

        lax.fori_loop(0, CHUNK // 16, pstep, 0)
        c1.wait()
        pltpu.sync_copy(fbuf, outg_hbm.at[pl.ds(off, CHUNK)])
        pltpu.sync_copy(cbuf, outc_hbm.at[:, pl.ds(off, CHUNK)])
        return 0

    nj = jnp.where(wid < N_CHUNKS % SC_WORKERS,
                   N_CHUNKS // SC_WORKERS + 1, N_CHUNKS // SC_WORKERS)
    lax.fori_loop(0, nj, body, 0)


def _tc_body(g3a, g3b, g3c, g3d, ct, bm, mask, wp, out, infl_s, wf3):
    sq = lax.dot_general(bm[:], ct[:], (((1,), (0,)), ((), ())),
                         precision=lax.Precision.HIGHEST,
                         preferred_element_type=jnp.float32)
    sq = jnp.maximum(sq, 0.0)
    infl_s[:] = jnp.maximum(1.0 - jnp.sqrt(sq) / SIGMA, 0.0)
    maskb = mask[:]

    for kk, g3 in enumerate((g3a, g3b, g3c, g3d)):
        def grp(g, _, g3=g3, base=kk * (GROUPS // 4)):
            ga = base + g
            ig = infl_s[:, pl.ds(ga * 128, 128)] * maskb
            gg = g3[g]
            wf3[ga] = jnp.dot(ig, gg, preferred_element_type=jnp.float32)
            return 0

        lax.fori_loop(0, GROUPS // 4, grp, 0)

    wf4 = wf3[:].reshape(GROUPS, K_PAD, 4, C_IN)
    acc = jnp.zeros((MB, C_OUT), jnp.float32)
    for k in range(K_PAD):
        wfk = wf4[:, k].reshape(MB, C_IN)
        acc = acc + jnp.dot(wfk, wp[k], preferred_element_type=jnp.float32)
    out[:] = acc


def kernel(q_pts, s_pts, s_feats, neighb_inds, kernel_points, weights):
    f32 = jnp.float32
    idxf = neighb_inds.reshape(-1).astype(jnp.int32)

    sx = s_pts[:, 0].astype(f32)
    sy = s_pts[:, 1].astype(f32)
    sz = s_pts[:, 2].astype(f32)
    qx = q_pts[:, 0].astype(f32)
    qy = q_pts[:, 1].astype(f32)
    qz = q_pts[:, 2].astype(f32)

    kp16 = jnp.concatenate(
        [kernel_points.astype(f32), jnp.full((1, 3), 100.0, f32)], axis=0)
    kprep = jnp.repeat(kp16, 4, axis=0)
    bm = jnp.concatenate(
        [-2.0 * kprep, jnp.ones((64, 3), f32),
         jnp.sum(kprep * kprep, axis=1)[:, None], jnp.zeros((64, 1), f32)],
        axis=1)
    cq = lax.broadcasted_iota(jnp.int32, (64, 128), 1) // H_NB
    rq = lax.broadcasted_iota(jnp.int32, (64, 128), 0) % 4
    mask = (cq == rq).astype(f32)

    wp = jnp.concatenate(
        [weights[:, 0].astype(f32), jnp.zeros((1, C_IN, C_OUT), f32)], axis=0)

    mesh = plsc.VectorSubcoreMesh(core_axis_name="c", subcore_axis_name="s")
    sc = pl.kernel(
        _sc_gather,
        out_type=[jax.ShapeDtypeStruct((ROWS_TOTAL, C_IN), f32),
                  jax.ShapeDtypeStruct((8, ROWS_TOTAL), f32)],
        mesh=mesh,
        scratch_types=[pltpu.VMEM((CHUNK,), jnp.int32),
                       pltpu.VMEM((N_PTS,), f32),
                       pltpu.VMEM((N_PTS,), f32),
                       pltpu.VMEM((N_PTS,), f32),
                       pltpu.VMEM((N_PTS,), f32),
                       pltpu.VMEM((N_PTS,), f32),
                       pltpu.VMEM((N_PTS,), f32),
                       pltpu.VMEM((CHUNK, C_IN), f32),
                       pltpu.VMEM((8, CHUNK), f32),
                       pltpu.SemaphoreType.DMA],
        compiler_params=pltpu.CompilerParams(needs_layout_passes=False),
    )
    gfeat, ctall = sc(s_feats, sx, sy, sz, qx, qy, qz, idxf)

    g3 = gfeat.reshape(N_PTS // 4, 4 * H_NB, C_IN)

    out = pl.pallas_call(
        _tc_body,
        grid=(GRID,),
        in_specs=[
            pl.BlockSpec((GROUPS // 4, 4 * H_NB, C_IN), lambda i: (4 * i, 0, 0)),
            pl.BlockSpec((GROUPS // 4, 4 * H_NB, C_IN), lambda i: (4 * i + 1, 0, 0)),
            pl.BlockSpec((GROUPS // 4, 4 * H_NB, C_IN), lambda i: (4 * i + 2, 0, 0)),
            pl.BlockSpec((GROUPS // 4, 4 * H_NB, C_IN), lambda i: (4 * i + 3, 0, 0)),
            pl.BlockSpec((8, ROWS_PER_TILE), lambda i: (0, i)),
            pl.BlockSpec((64, 8), lambda i: (0, 0)),
            pl.BlockSpec((64, 128), lambda i: (0, 0)),
            pl.BlockSpec((K_PAD, C_IN, C_OUT), lambda i: (0, 0, 0)),
        ],
        out_specs=pl.BlockSpec((MB, C_OUT), lambda i: (i, 0)),
        out_shape=jax.ShapeDtypeStruct((N_PTS, C_OUT), f32),
        scratch_shapes=[
            pltpu.VMEM((64, ROWS_PER_TILE), f32),
            pltpu.VMEM((GROUPS, 64, C_IN), f32),
        ],
    )(g3, g3, g3, g3, ctall, bm, mask, wp)
    return out

# --- scband reference (transcript-rebuilt; emitter-appended) ---
"""Pipeline reference for scband-kpconv-17712445129349 (READ-ONLY COPY).

The authoritative reference and input builder live on the scoring server;
editing this copy changes nothing except your own understanding.
"""

import jax, jax.numpy as jnp
import numpy as np

IN_C = 128
OUT_C = 128
K = 15
RADIUS = 1.5
SIGMA = 1.0
INF = 1e6
N = 10000
H = 32


def _kernel_points():
    # 1 fixed center point + 14 points on a fibonacci-sphere shell (deterministic).
    # Approximates load_kernels(RADIUS, shell_sizes=[1, 14], dimension=3, fixed='center').
    n = 14
    i = np.arange(n, dtype=np.float64)
    phi = np.pi * (3.0 - np.sqrt(5.0))
    y = 1.0 - 2.0 * (i + 0.5) / n
    r = np.sqrt(np.maximum(0.0, 1.0 - y * y))
    theta = phi * i
    pts = np.stack([r * np.cos(theta), y, r * np.sin(theta)], axis=1)
    shell = pts * (RADIUS * 0.66)
    kp = np.concatenate([np.zeros((1, 3)), shell], axis=0)
    return jnp.asarray(kp, dtype=jnp.float32)


def setup_inputs(seed: int = 0):
    key = jax.random.key(seed)
    k1, k2, k3, k4, k5 = jax.random.split(key, 5)
    q_pts = jax.random.normal(k1, (N, 3), dtype=jnp.float32) * RADIUS
    s_pts = q_pts + jax.random.normal(k2, (N, 3), dtype=jnp.float32) * (0.1 * RADIUS)
    s_feats = jax.random.normal(k3, (N, IN_C), dtype=jnp.float32)
    neighb_inds = jax.random.randint(k4, (N, H), 0, N)
    # learned params: rigid KPConv weights (K, groups=1, C_in, C_out), kaiming-uniform-ish
    fan_in = IN_C
    bound = float(np.sqrt(6.0 / ((1.0 + 5.0) * fan_in)))
    weights = jax.random.uniform(k5, (K, 1, IN_C, OUT_C), dtype=jnp.float32, minval=-bound, maxval=bound)
    kernel_points = _kernel_points()
    return {
        'q_pts': q_pts,
        's_pts': s_pts,
        's_feats': s_feats,
        'neighb_inds': neighb_inds,
        'kernel_points': kernel_points,
        'weights': weights,
    }


def reference(q_pts, s_pts, s_feats, neighb_inds, kernel_points, weights):
    # --- get_neighbors_influences (computed under torch.no_grad in the original) ---
    # pad support points with a far-away shadow point
    s_pts_pad = jnp.concatenate([s_pts, jnp.full((1, 3), INF, dtype=s_pts.dtype)], axis=0)
    neighbors = jnp.take(s_pts_pad, neighb_inds, axis=0)              # (M, H, 3)
    neighbors = neighbors - q_pts[:, None, :]                          # center on query
    differences = neighbors[:, :, None, :] - kernel_points[None, None, :, :]  # (M, H, K, 3)
    sq_distances = jnp.sum(differences ** 2, axis=3)                   # (M, H, K)
    # influence_mode == 'linear'
    influence_weights = jnp.maximum(1.0 - jnp.sqrt(sq_distances) / SIGMA, 0.0)
    # aggregation_mode == 'sum', gather_mode False -> transpose to (M, K, H)
    influence_weights = jnp.transpose(influence_weights, (0, 2, 1))
    influence_weights = jax.lax.stop_gradient(influence_weights)

    # --- feature gather with zero shadow feature ---
    s_feats_pad = jnp.concatenate(
        [s_feats, jnp.zeros((1, s_feats.shape[1]), dtype=s_feats.dtype)], axis=0)
    neighbor_feats = jnp.take(s_feats_pad, neighb_inds, axis=0)        # (M, H, C)

    # --- apply kernel-point influences ---
    weighted_feats = jnp.matmul(influence_weights, neighbor_feats)     # (M, K, C)

    # --- apply convolution weights (groups == 1) and sum over kernel points ---
    W = weights[:, 0, :, :]                                            # (K, C, O)
    output_feats = jnp.einsum('mkc,kco->mo', weighted_feats, W)        # (M, O)
    return output_feats

if __name__ == "__main__":
    import jax
    _d = setup_inputs()
    print(jax.jit(kernel)(*tuple(_d.values())))

</pallas_src>

<mosaic_0001>
#map = affine_map<(d0, d1) -> (0, 0)>
#map1 = affine_map<(d0, d1) -> (0)>
module attributes {stable_mosaic.version = 14 : i64} {
  func.func @_sc_gather(%arg0: i32, %arg1: i32, %arg2: memref<10000x128xf32, #tpu.memory_space<hbm>>, %arg3: memref<10000xf32, #tpu.memory_space<hbm>>, %arg4: memref<10000xf32, #tpu.memory_space<hbm>>, %arg5: memref<10000xf32, #tpu.memory_space<hbm>>, %arg6: memref<10000xf32, #tpu.memory_space<hbm>>, %arg7: memref<10000xf32, #tpu.memory_space<hbm>>, %arg8: memref<10000xf32, #tpu.memory_space<hbm>>, %arg9: memref<320000xi32, #tpu.memory_space<hbm>>, %arg10: memref<320000x128xf32, #tpu.memory_space<hbm>>, %arg11: memref<8x320000xf32, #tpu.memory_space<hbm>>, %arg12: memref<128xi32, #tpu.memory_space<vmem>>, %arg13: memref<10000xf32, #tpu.memory_space<vmem>>, %arg14: memref<10000xf32, #tpu.memory_space<vmem>>, %arg15: memref<10000xf32, #tpu.memory_space<vmem>>, %arg16: memref<10000xf32, #tpu.memory_space<vmem>>, %arg17: memref<10000xf32, #tpu.memory_space<vmem>>, %arg18: memref<10000xf32, #tpu.memory_space<vmem>>, %arg19: memref<128x128xf32, #tpu.memory_space<vmem>>, %arg20: memref<8x128xf32, #tpu.memory_space<vmem>>, %arg21: memref<!tpu.dma_semaphore, #tpu.memory_space<semaphore_mem>>) attributes {dimension_semantics = [#tpu.dimension_semantics<core_parallel>, #tpu.dimension_semantics<subcore_parallel>], iteration_bounds = array<i64: 2, 16>, scalar_prefetch = 0 : i64, scratch_operands = 10 : i64, tpu.core_type = #tpu.core_type<sc_vector_subcore>, window_params = [{transform_indices = #map}, {transform_indices = #map1}, {transform_indices = #map1}, {transform_indices = #map1}, {transform_indices = #map1}, {transform_indices = #map1}, {transform_indices = #map1}, {transform_indices = #map1}, {transform_indices = #map}, {transform_indices = #map}]} {
    %mul3A = arith.constant 2 : i32
    %mul3A_0 = arith.muli %arg1, %mul3A : i32
    %add3A = arith.addi %mul3A_0, %arg0 : i32
    "tpu.region"() ({
      %run_scoped3A = tpu.sem_alloc : memref<!tpu.dma_semaphore, #tpu.memory_space<semaphore_mem>>
      tpu.enqueue_dma source(%arg3 : memref<10000xf32, #tpu.memory_space<hbm>>) target(%arg13 : memref<10000xf32, #tpu.memory_space<vmem>>) target_semaphore(%run_scoped3A : memref<!tpu.dma_semaphore, #tpu.memory_space<semaphore_mem>>)
      tpu.wait_dma2 semaphore(%run_scoped3A : memref<!tpu.dma_semaphore, #tpu.memory_space<semaphore_mem>>) src(%arg3 : memref<10000xf32, #tpu.memory_space<hbm>>) dst(%arg13 : memref<10000xf32, #tpu.memory_space<vmem>>)
      tpu.yield
    }) : () -> ()
    "tpu.region"() ({
      %run_scoped3A = tpu.sem_alloc : memref<!tpu.dma_semaphore, #tpu.memory_space<semaphore_mem>>
      tpu.enqueue_dma source(%arg4 : memref<10000xf32, #tpu.memory_space<hbm>>) target(%arg14 : memref<10000xf32, #tpu.memory_space<vmem>>) target_semaphore(%run_scoped3A : memref<!tpu.dma_semaphore, #tpu.memory_space<semaphore_mem>>)
      tpu.wait_dma2 semaphore(%run_scoped3A : memref<!tpu.dma_semaphore, #tpu.memory_space<semaphore_mem>>) src(%arg4 : memref<10000xf32, #tpu.memory_space<hbm>>) dst(%arg14 : memref<10000xf32, #tpu.memory_space<vmem>>)
      tpu.yield
    }) : () -> ()
    "tpu.region"() ({
      %run_scoped3A = tpu.sem_alloc : memref<!tpu.dma_semaphore, #tpu.memory_space<semaphore_mem>>
      tpu.enqueue_dma source(%arg5 : memref<10000xf32, #tpu.memory_space<hbm>>) target(%arg15 : memref<10000xf32, #tpu.memory_space<vmem>>) target_semaphore(%run_scoped3A : memref<!tpu.dma_semaphore, #tpu.memory_space<semaphore_mem>>)
      tpu.wait_dma2 semaphore(%run_scoped3A : memref<!tpu.dma_semaphore, #tpu.memory_space<semaphore_mem>>) src(%arg5 : memref<10000xf32, #tpu.memory_space<hbm>>) dst(%arg15 : memref<10000xf32, #tpu.memory_space<vmem>>)
      tpu.yield
    }) : () -> ()
    "tpu.region"() ({
      %run_scoped3A = tpu.sem_alloc : memref<!tpu.dma_semaphore, #tpu.memory_space<semaphore_mem>>
      tpu.enqueue_dma source(%arg6 : memref<10000xf32, #tpu.memory_space<hbm>>) target(%arg16 : memref<10000xf32, #tpu.memory_space<vmem>>) target_semaphore(%run_scoped3A : memref<!tpu.dma_semaphore, #tpu.memory_space<semaphore_mem>>)
      tpu.wait_dma2 semaphore(%run_scoped3A : memref<!tpu.dma_semaphore, #tpu.memory_space<semaphore_mem>>) src(%arg6 : memref<10000xf32, #tpu.memory_space<hbm>>) dst(%arg16 : memref<10000xf32, #tpu.memory_space<vmem>>)
      tpu.yield
    }) : () -> ()
    "tpu.region"() ({
      %run_scoped3A = tpu.sem_alloc : memref<!tpu.dma_semaphore, #tpu.memory_space<semaphore_mem>>
      tpu.enqueue_dma source(%arg7 : memref<10000xf32, #tpu.memory_space<hbm>>) target(%arg17 : memref<10000xf32, #tpu.memory_space<vmem>>) target_semaphore(%run_scoped3A : memref<!tpu.dma_semaphore, #tpu.memory_space<semaphore_mem>>)
      tpu.wait_dma2 semaphore(%run_scoped3A : memref<!tpu.dma_semaphore, #tpu.memory_space<semaphore_mem>>) src(%arg7 : memref<10000xf32, #tpu.memory_space<hbm>>) dst(%arg17 : memref<10000xf32, #tpu.memory_space<vmem>>)
      tpu.yield
    }) : () -> ()
    "tpu.region"() ({
      %run_scoped3A = tpu.sem_alloc : memref<!tpu.dma_semaphore, #tpu.memory_space<semaphore_mem>>
      tpu.enqueue_dma source(%arg8 : memref<10000xf32, #tpu.memory_space<hbm>>) target(%arg18 : memref<10000xf32, #tpu.memory_space<vmem>>) target_semaphore(%run_scoped3A : memref<!tpu.dma_semaphore, #tpu.memory_space<semaphore_mem>>)
      tpu.wait_dma2 semaphore(%run_scoped3A : memref<!tpu.dma_semaphore, #tpu.memory_space<semaphore_mem>>) src(%arg8 : memref<10000xf32, #tpu.memory_space<hbm>>) dst(%arg18 : memref<10000xf32, #tpu.memory_space<vmem>>)
      tpu.yield
    }) : () -> ()
    %iota3A = tpu.iota {dimensions = array<i32: 0>} : vector<16xi32>
    %broadcast_in_dim3A = arith.constant 1.000000e+00 : f32
    %broadcast_in_dim3A_1 = vector.broadcast %broadcast_in_dim3A : f32 to vector<16xf32>
    %broadcast_in_dim3A_2 = arith.constant 0.000000e+00 : f32
    %broadcast_in_dim3A_3 = vector.broadcast %broadcast_in_dim3A_2 : f32 to vector<16xf32>
    %scan3A = arith.constant 0 : i32
    %scan3A_4 = arith.constant 0 : i32
    %scan3A_5 = arith.constant 8 : i32
    %scan3A_6 = arith.addi %scan3A_4, %scan3A_5 : i32
    %scan3A_7 = arith.constant 1 : i32
    %scan3A_8 = scf.for %scan3A_23 = %scan3A_4 to %scan3A_6 step %scan3A_7 iter_args(%scan3A_24 = %scan3A) -> (i32)  : i32 {
      %mul3A_25 = arith.constant 16 : i32
      %mul3A_26 = arith.muli %scan3A_23, %mul3A_25 : i32
      %swap3A = arith.constant 6 : i32
      %swap3A_27 = arith.index_cast %swap3A : i32 to index
      %swap3A_28 = arith.index_cast %mul3A_26 : i32 to index
      %swap3A_29 = tpu.vector_load %arg20[%swap3A_27, %swap3A_28] {strides = array<i32>} : memref<8x128xf32, #tpu.memory_space<vmem>>, vector<16xf32>,
      tpu.vector_store %arg20[%swap3A_27, %swap3A_28], %broadcast_in_dim3A_1 {strides = array<i32>} : memref<8x128xf32, #tpu.memory_space<vmem>>, vector<16xf32>,
      %mul3A_30 = arith.constant 16 : i32
      %mul3A_31 = arith.muli %scan3A_23, %mul3A_30 : i32
      %swap3A_32 = arith.constant 7 : i32
      %swap3A_33 = arith.index_cast %swap3A_32 : i32 to index
      %swap3A_34 = arith.index_cast %mul3A_31 : i32 to index
      %swap3A_35 = tpu.vector_load %arg20[%swap3A_33, %swap3A_34] {strides = array<i32>} : memref<8x128xf32, #tpu.memory_space<vmem>>, vector<16xf32>,
      tpu.vector_store %arg20[%swap3A_33, %swap3A_34], %broadcast_in_dim3A_3 {strides = array<i32>} : memref<8x128xf32, #tpu.memory_space<vmem>>, vector<16xf32>,
      %scan3A_36 = arith.constant 0 : i32
      scf.yield %scan3A_36 : i32
    }
    %scan3A_9 = arith.constant 8 : i32
    %lt3A = arith.constant 4 : i32
    %lt3A_10 = arith.cmpi slt, %add3A, %lt3A : i32
    %jit3A = arith.constant 79 : i32
    %jit3A_11 = arith.constant 78 : i32
    %select_n3A = arith.select %lt3A_10, %jit3A, %jit3A_11 : i32
    %while3A = arith.constant 0 : i32
    %while3A_12 = arith.constant 0 : i32
    %while3A_13 = arith.subi %select_n3A, %while3A : i32
    %while3A_14 = arith.addi %while3A, %while3A_13 : i32
    %while3A_15 = arith.constant 1 : i32
    %while3A_16 = arith.divsi %while3A_13, %while3A_15 : i32
    %while3A_17 = arith.muli %while3A_16, %while3A_15 : i32
    %while3A_18 = arith.addi %while3A, %while3A_17 : i32
    %while3A_19 = arith.constant 1 : i32
    %while3A_20 = scf.for %while3A_23 = %while3A to %while3A_18 step %while3A_19 iter_args(%while3A_24 = %while3A_12) -> (i32)  : i32 {
      %mul3A_25 = arith.constant 32 : i32
      %mul3A_26 = arith.muli %while3A_23, %mul3A_25 : i32
      %add3A_27 = arith.addi %add3A, %mul3A_26 : i32
      %mul3A_28 = arith.constant 128 : i32
      %mul3A_29 = arith.muli %add3A_27, %mul3A_28 : i32
      "tpu.region"() ({
        %run_scoped3A = tpu.sem_alloc : memref<!tpu.dma_semaphore, #tpu.memory_space<semaphore_mem>>
        %dma_start3A_42 = tpu.memref_slice %arg9[%mul3A_29] : memref<320000xi32, #tpu.memory_space<hbm>> -> memref<128xi32, #tpu.memory_space<hbm>>
        %dma_start3A_43 = tpu.memref_slice %arg9[%mul3A_29] : memref<320000xi32, #tpu.memory_space<hbm>> -> memref<128xi32, #tpu.memory_space<hbm>>
        tpu.enqueue_dma source(%dma_start3A_43 : memref<128xi32, #tpu.memory_space<hbm>>) target(%arg12 : memref<128xi32, #tpu.memory_space<vmem>>) target_semaphore(%run_scoped3A : memref<!tpu.dma_semaphore, #tpu.memory_space<semaphore_mem>>)
        %dma_wait3A_44 = tpu.memref_slice %arg9[%mul3A_29] : memref<320000xi32, #tpu.memory_space<hbm>> -> memref<128xi32, #tpu.memory_space<hbm>>
        %dma_wait3A_45 = tpu.memref_slice %arg9[%mul3A_29] : memref<320000xi32, #tpu.memory_space<hbm>> -> memref<128xi32, #tpu.memory_space<hbm>>
        tpu.wait_dma2 semaphore(%run_scoped3A : memref<!tpu.dma_semaphore, #tpu.memory_space<semaphore_mem>>) src(%dma_wait3A_45 : memref<128xi32, #tpu.memory_space<hbm>>) dst(%arg12 : memref<128xi32, #tpu.memory_space<vmem>>)
        tpu.yield
      }) : () -> ()
      %dma_start3A = arith.constant 0 : i32
      %dma_start3A_30 = arith.constant 0 : i32
      %dma_start3A_31 = tpu.memref_slice %arg2[%dma_start3A, %dma_start3A_30] : memref<10000x128xf32, #tpu.memory_space<hbm>> -> memref<10000x128xf32, #tpu.memory_space<hbm>>
      tpu.enqueue_indirect_dma source(%dma_start3A_31 : memref<10000x128xf32, #tpu.memory_space<hbm>>) target(%arg19 : memref<128x128xf32, #tpu.memory_space<vmem>>) offsets(%arg12 : memref<128xi32, #tpu.memory_space<vmem>>) semaphore(%arg21 : memref<!tpu.dma_semaphore, #tpu.memory_space<semaphore_mem>>)
      %scan3A_32 = arith.constant 0 : i32
      %scan3A_33 = arith.constant 0 : i32
      %scan3A_34 = arith.constant 8 : i32
      %scan3A_35 = arith.addi %scan3A_33, %scan3A_34 : i32
      %scan3A_36 = arith.constant 1 : i32
      %scan3A_37 = scf.for %scan3A_42 = %scan3A_33 to %scan3A_35 step %scan3A_36 iter_args(%scan3A_43 = %scan3A_32) -> (i32)  : i32 {
        %mul3A_44 = arith.constant 16 : i32
        %mul3A_45 = arith.muli %scan3A_42, %mul3A_44 : i32
        %get3A = arith.index_cast %mul3A_45 : i32 to index
        %get3A_46 = tpu.vector_load %arg12[%get3A] {strides = array<i32>} : memref<128xi32, #tpu.memory_space<vmem>>, vector<16xi32>,
        %mul3A_47 = arith.constant 16 : i32
        %mul3A_48 = arith.muli %scan3A_42, %mul3A_47 : i32
        %add3A_49 = arith.addi %mul3A_29, %mul3A_48 : i32
        %add3A_50 = vector.broadcast %add3A_49 : i32 to vector<16xi32>
        %add3A_51 = arith.addi %add3A_50, %iota3A : vector<16xi32>
        %shift_right_logical3A = arith.constant 5 : i32
        %shift_right_logical3A_52 = vector.broadcast %shift_right_logical3A : i32 to vector<16xi32>
        %shift_right_logical3A_53 = arith.shrui %add3A_51, %shift_right_logical3A_52 : vector<16xi32>
        %gather3A = tpu.vector_load_idx %arg13[%get3A_46] : memref<10000xf32, #tpu.memory_space<vmem>>[vector<16xi32>], vector<16xf32>,
        %gather3A_54 = tpu.vector_load_idx %arg16[%shift_right_logical3A_53] : memref<10000xf32, #tpu.memory_space<vmem>>[vector<16xi32>], vector<16xf32>,
        %sub3A = arith.subf %gather3A, %gather3A_54 : vector<16xf32>
        %gather3A_55 = tpu.vector_load_idx %arg14[%get3A_46] : memref<10000xf32, #tpu.memory_space<vmem>>[vector<16xi32>], vector<16xf32>,
        %gather3A_56 = tpu.vector_load_idx %arg17[%shift_right_logical3A_53] : memref<10000xf32, #tpu.memory_space<vmem>>[vector<16xi32>], vector<16xf32>,
        %sub3A_57 = arith.subf %gather3A_55, %gather3A_56 : vector<16xf32>
        %gather3A_58 = tpu.vector_load_idx %arg15[%get3A_46] : memref<10000xf32, #tpu.memory_space<vmem>>[vector<16xi32>], vector<16xf32>,
        %gather3A_59 = tpu.vector_load_idx %arg18[%shift_right_logical3A_53] : memref<10000xf32, #tpu.memory_space<vmem>>[vector<16xi32>], vector<16xf32>,
        %sub3A_60 = arith.subf %gather3A_58, %gather3A_59 : vector<16xf32>
        %mul3A_61 = arith.constant 16 : i32
        %mul3A_62 = arith.muli %scan3A_42, %mul3A_61 : i32
        %swap3A = arith.constant 0 : i32
        %swap3A_63 = arith.index_cast %swap3A : i32 to index
        %swap3A_64 = arith.index_cast %mul3A_62 : i32 to index
        %swap3A_65 = tpu.vector_load %arg20[%swap3A_63, %swap3A_64] {strides = array<i32>} : memref<8x128xf32, #tpu.memory_space<vmem>>, vector<16xf32>,
        tpu.vector_store %arg20[%swap3A_63, %swap3A_64], %sub3A {strides = array<i32>} : memref<8x128xf32, #tpu.memory_space<vmem>>, vector<16xf32>,
        %swap3A_66 = arith.constant 1 : i32
        %swap3A_67 = arith.index_cast %swap3A_66 : i32 to index
        %swap3A_68 = arith.index_cast %mul3A_62 : i32 to index
        %swap3A_69 = tpu.vector_load %arg20[%swap3A_67, %swap3A_68] {strides = array<i32>} : memref<8x128xf32, #tpu.memory_space<vmem>>, vector<16xf32>,
        tpu.vector_store %arg20[%swap3A_67, %swap3A_68], %sub3A_57 {strides = array<i32>} : memref<8x128xf32, #tpu.memory_space<vmem>>, vector<16xf32>,
        %swap3A_70 = arith.constant 2 : i32
        %swap3A_71 = arith.index_cast %swap3A_70 : i32 to index
        %swap3A_72 = arith.index_cast %mul3A_62 : i32 to index
        %swap3A_73 = tpu.vector_load %arg20[%swap3A_71, %swap3A_72] {strides = array<i32>} : memref<8x128xf32, #tpu.memory_space<vmem>>, vector<16xf32>,
        tpu.vector_store %arg20[%swap3A_71, %swap3A_72], %sub3A_60 {strides = array<i32>} : memref<8x128xf32, #tpu.memory_space<vmem>>, vector<16xf32>,
        %mul3A_74 = arith.mulf %sub3A, %sub3A : vector<16xf32>
        %swap3A_75 = arith.constant 3 : i32
        %swap3A_76 = arith.index_cast %swap3A_75 : i32 to index
        %swap3A_77 = arith.index_cast %mul3A_62 : i32 to index
        %swap3A_78 = tpu.vector_load %arg20[%swap3A_76, %swap3A_77] {strides = array<i32>} : memref<8x128xf32, #tpu.memory_space<vmem>>, vector<16xf32>,
        tpu.vector_store %arg20[%swap3A_76, %swap3A_77], %mul3A_74 {strides = array<i32>} : memref<8x128xf32, #tpu.memory_space<vmem>>, vector<16xf32>,
        %mul3A_79 = arith.mulf %sub3A_57, %sub3A_57 : vector<16xf32>
        %swap3A_80 = arith.constant 4 : i32
        %swap3A_81 = arith.index_cast %swap3A_80 : i32 to index
        %swap3A_82 = arith.index_cast %mul3A_62 : i32 to index
        %swap3A_83 = tpu.vector_load %arg20[%swap3A_81, %swap3A_82] {strides = array<i32>} : memref<8x128xf32, #tpu.memory_space<vmem>>, vector<16xf32>,
        tpu.vector_store %arg20[%swap3A_81, %swap3A_82], %mul3A_79 {strides = array<i32>} : memref<8x128xf32, #tpu.memory_space<vmem>>, vector<16xf32>,
        %mul3A_84 = arith.mulf %sub3A_60, %sub3A_60 : vector<16xf32>
        %swap3A_85 = arith.constant 5 : i32
        %swap3A_86 = arith.index_cast %swap3A_85 : i32 to index
        %swap3A_87 = arith.index_cast %mul3A_62 : i32 to index
        %swap3A_88 = tpu.vector_load %arg20[%swap3A_86, %swap3A_87] {strides = array<i32>} : memref<8x128xf32, #tpu.memory_space<vmem>>, vector<16xf32>,
        tpu.vector_store %arg20[%swap3A_86, %swap3A_87], %mul3A_84 {strides = array<i32>} : memref<8x128xf32, #tpu.memory_space<vmem>>, vector<16xf32>,
        %scan3A_89 = arith.constant 0 : i32
        scf.yield %scan3A_89 : i32
      }
      %scan3A_38 = arith.constant 8 : i32
      %dma_wait3A = arith.constant 0 : i32
      %dma_wait3A_39 = arith.constant 0 : i32
      %dma_wait3A_40 = tpu.memref_slice %arg2[%dma_wait3A, %dma_wait3A_39] : memref<10000x128xf32, #tpu.memory_space<hbm>> -> memref<10000x128xf32, #tpu.memory_space<hbm>>
      tpu.wait_indirect_dma semaphore(%arg21 : memref<!tpu.dma_semaphore, #tpu.memory_space<semaphore_mem>>) src(%dma_wait3A_40 : memref<10000x128xf32, #tpu.memory_space<hbm>>) dst(%arg19 : memref<128x128xf32, #tpu.memory_space<vmem>>)
      "tpu.region"() ({
        %run_scoped3A = tpu.sem_alloc : memref<!tpu.dma_semaphore, #tpu.memory_space<semaphore_mem>>
        %dma_start3A_42 = arith.constant 0 : i32
        %dma_start3A_43 = tpu.memref_slice %arg10[%mul3A_29, %dma_start3A_42] : memref<320000x128xf32, #tpu.memory_space<hbm>> -> memref<128x128xf32, #tpu.memory_space<hbm>>
        %dma_start3A_44 = arith.constant 0 : i32
        %dma_start3A_45 = tpu.memref_slice %arg10[%mul3A_29, %dma_start3A_44] : memref<320000x128xf32, #tpu.memory_space<hbm>> -> memref<128x128xf32, #tpu.memory_space<hbm>>
        tpu.enqueue_dma source(%arg19 : memref<128x128xf32, #tpu.memory_space<vmem>>) target(%dma_start3A_45 : memref<128x128xf32, #tpu.memory_space<hbm>>) target_semaphore(%run_scoped3A : memref<!tpu.dma_semaphore, #tpu.memory_space<semaphore_mem>>)
        %dma_wait3A_46 = arith.constant 0 : i32
        %dma_wait3A_47 = tpu.memref_slice %arg10[%mul3A_29, %dma_wait3A_46] : memref<320000x128xf32, #tpu.memory_space<hbm>> -> memref<128x128xf32, #tpu.memory_space<hbm>>
        %dma_wait3A_48 = arith.constant 0 : i32
        %dma_wait3A_49 = tpu.memref_slice %arg10[%mul3A_29, %dma_wait3A_48] : memref<320000x128xf32, #tpu.memory_space<hbm>> -> memref<128x128xf32, #tpu.memory_space<hbm>>
        tpu.wait_dma2 semaphore(%run_scoped3A : memref<!tpu.dma_semaphore, #tpu.memory_space<semaphore_mem>>) src(%arg19 : memref<128x128xf32, #tpu.memory_space<vmem>>) dst(%dma_wait3A_49 : memref<128x128xf32, #tpu.memory_space<hbm>>)
        tpu.yield
      }) : () -> ()
      "tpu.region"() ({
        %run_scoped3A = tpu.sem_alloc : memref<!tpu.dma_semaphore, #tpu.memory_space<semaphore_mem>>
        %dma_start3A_42 = arith.constant 0 : i32
        %dma_start3A_43 = tpu.memref_slice %arg11[%dma_start3A_42, %mul3A_29] : memref<8x320000xf32, #tpu.memory_space<hbm>> -> memref<8x128xf32, #tpu.memory_space<hbm>>
        %dma_start3A_44 = arith.constant 0 : i32
        %dma_start3A_45 = tpu.memref_slice %arg11[%dma_start3A_44, %mul3A_29] : memref<8x320000xf32, #tpu.memory_space<hbm>> -> memref<8x128xf32, #tpu.memory_space<hbm>>
        tpu.enqueue_dma source(%arg20 : memref<8x128xf32, #tpu.memory_space<vmem>>) target(%dma_start3A_45 : memref<8x128xf32, #tpu.memory_space<hbm>>) target_semaphore(%run_scoped3A : memref<!tpu.dma_semaphore, #tpu.memory_space<semaphore_mem>>)
        %dma_wait3A_46 = arith.constant 0 : i32
        %dma_wait3A_47 = tpu.memref_slice %arg11[%dma_wait3A_46, %mul3A_29] : memref<8x320000xf32, #tpu.memory_space<hbm>> -> memref<8x128xf32, #tpu.memory_space<hbm>>
        %dma_wait3A_48 = arith.constant 0 : i32
        %dma_wait3A_49 = tpu.memref_slice %arg11[%dma_wait3A_48, %mul3A_29] : memref<8x320000xf32, #tpu.memory_space<hbm>> -> memref<8x128xf32, #tpu.memory_space<hbm>>
        tpu.wait_dma2 semaphore(%run_scoped3A : memref<!tpu.dma_semaphore, #tpu.memory_space<semaphore_mem>>) src(%arg20 : memref<8x128xf32, #tpu.memory_space<vmem>>) dst(%dma_wait3A_49 : memref<8x128xf32, #tpu.memory_space<hbm>>)
        tpu.yield
      }) : () -> ()
      %while3A_41 = arith.constant 0 : i32
      scf.yield %while3A_41 : i32
    }
    %while3A_21 = arith.constant 1 : i32
    %while3A_22 = scf.for %while3A_23 = %while3A_18 to %while3A_14 step %while3A_21 iter_args(%while3A_24 = %while3A_20) -> (i32)  : i32 {
      %mul3A_25 = arith.constant 32 : i32
      %mul3A_26 = arith.muli %while3A_23, %mul3A_25 : i32
      %add3A_27 = arith.addi %add3A, %mul3A_26 : i32
      %mul3A_28 = arith.constant 128 : i32
      %mul3A_29 = arith.muli %add3A_27, %mul3A_28 : i32
      "tpu.region"() ({
        %run_scoped3A = tpu.sem_alloc : memref<!tpu.dma_semaphore, #tpu.memory_space<semaphore_mem>>
        %dma_start3A_42 = tpu.memref_slice %arg9[%mul3A_29] : memref<320000xi32, #tpu.memory_space<hbm>> -> memref<128xi32, #tpu.memory_space<hbm>>
        %dma_start3A_43 = tpu.memref_slice %arg9[%mul3A_29] : memref<320000xi32, #tpu.memory_space<hbm>> -> memref<128xi32, #tpu.memory_space<hbm>>
        tpu.enqueue_dma source(%dma_start3A_43 : memref<128xi32, #tpu.memory_space<hbm>>) target(%arg12 : memref<128xi32, #tpu.memory_space<vmem>>) target_semaphore(%run_scoped3A : memref<!tpu.dma_semaphore, #tpu.memory_space<semaphore_mem>>)
        %dma_wait3A_44 = tpu.memref_slice %arg9[%mul3A_29] : memref<320000xi32, #tpu.memory_space<hbm>> -> memref<128xi32, #tpu.memory_space<hbm>>
        %dma_wait3A_45 = tpu.memref_slice %arg9[%mul3A_29] : memref<320000xi32, #tpu.memory_space<hbm>> -> memref<128xi32, #tpu.memory_space<hbm>>
        tpu.wait_dma2 semaphore(%run_scoped3A : memref<!tpu.dma_semaphore, #tpu.memory_space<semaphore_mem>>) src(%dma_wait3A_45 : memref<128xi32, #tpu.memory_space<hbm>>) dst(%arg12 : memref<128xi32, #tpu.memory_space<vmem>>)
        tpu.yield
      }) : () -> ()
      %dma_start3A = arith.constant 0 : i32
      %dma_start3A_30 = arith.constant 0 : i32
      %dma_start3A_31 = tpu.memref_slice %arg2[%dma_start3A, %dma_start3A_30] : memref<10000x128xf32, #tpu.memory_space<hbm>> -> memref<10000x128xf32, #tpu.memory_space<hbm>>
      tpu.enqueue_indirect_dma source(%dma_start3A_31 : memref<10000x128xf32, #tpu.memory_space<hbm>>) target(%arg19 : memref<128x128xf32, #tpu.memory_space<vmem>>) offsets(%arg12 : memref<128xi32, #tpu.memory_space<vmem>>) semaphore(%arg21 : memref<!tpu.dma_semaphore, #tpu.memory_space<semaphore_mem>>)
      %scan3A_32 = arith.constant 0 : i32
      %scan3A_33 = arith.constant 0 : i32
      %scan3A_34 = arith.constant 8 : i32
      %scan3A_35 = arith.addi %scan3A_33, %scan3A_34 : i32
      %scan3A_36 = arith.constant 1 : i32
      %scan3A_37 = scf.for %scan3A_42 = %scan3A_33 to %scan3A_35 step %scan3A_36 iter_args(%scan3A_43 = %scan3A_32) -> (i32)  : i32 {
        %mul3A_44 = arith.constant 16 : i32
        %mul3A_45 = arith.muli %scan3A_42, %mul3A_44 : i32
        %get3A = arith.index_cast %mul3A_45 : i32 to index
        %get3A_46 = tpu.vector_load %arg12[%get3A] {strides = array<i32>} : memref<128xi32, #tpu.memory_space<vmem>>, vector<16xi32>,
        %mul3A_47 = arith.constant 16 : i32
        %mul3A_48 = arith.muli %scan3A_42, %mul3A_47 : i32
        %add3A_49 = arith.addi %mul3A_29, %mul3A_48 : i32
        %add3A_50 = vector.broadcast %add3A_49 : i32 to vector<16xi32>
        %add3A_51 = arith.addi %add3A_50, %iota3A : vector<16xi32>
        %shift_right_logical3A = arith.constant 5 : i32
        %shift_right_logical3A_52 = vector.broadcast %shift_right_logical3A : i32 to vector<16xi32>
        %shift_right_logical3A_53 = arith.shrui %add3A_51, %shift_right_logical3A_52 : vector<16xi32>
        %gather3A = tpu.vector_load_idx %arg13[%get3A_46] : memref<10000xf32, #tpu.memory_space<vmem>>[vector<16xi32>], vector<16xf32>,
        %gather3A_54 = tpu.vector_load_idx %arg16[%shift_right_logical3A_53] : memref<10000xf32, #tpu.memory_space<vmem>>[vector<16xi32>], vector<16xf32>,
        %sub3A = arith.subf %gather3A, %gather3A_54 : vector<16xf32>
        %gather3A_55 = tpu.vector_load_idx %arg14[%get3A_46] : memref<10000xf32, #tpu.memory_space<vmem>>[vector<16xi32>], vector<16xf32>,
        %gather3A_56 = tpu.vector_load_idx %arg17[%shift_right_logical3A_53] : memref<10000xf32, #tpu.memory_space<vmem>>[vector<16xi32>], vector<16xf32>,
        %sub3A_57 = arith.subf %gather3A_55, %gather3A_56 : vector<16xf32>
        %gather3A_58 = tpu.vector_load_idx %arg15[%get3A_46] : memref<10000xf32, #tpu.memory_space<vmem>>[vector<16xi32>], vector<16xf32>,
        %gather3A_59 = tpu.vector_load_idx %arg18[%shift_right_logical3A_53] : memref<10000xf32, #tpu.memory_space<vmem>>[vector<16xi32>], vector<16xf32>,
        %sub3A_60 = arith.subf %gather3A_58, %gather3A_59 : vector<16xf32>
        %mul3A_61 = arith.constant 16 : i32
        %mul3A_62 = arith.muli %scan3A_42, %mul3A_61 : i32
        %swap3A = arith.constant 0 : i32
        %swap3A_63 = arith.index_cast %swap3A : i32 to index
        %swap3A_64 = arith.index_cast %mul3A_62 : i32 to index
        %swap3A_65 = tpu.vector_load %arg20[%swap3A_63, %swap3A_64] {strides = array<i32>} : memref<8x128xf32, #tpu.memory_space<vmem>>, vector<16xf32>,
        tpu.vector_store %arg20[%swap3A_63, %swap3A_64], %sub3A {strides = array<i32>} : memref<8x128xf32, #tpu.memory_space<vmem>>, vector<16xf32>,
        %swap3A_66 = arith.constant 1 : i32
        %swap3A_67 = arith.index_cast %swap3A_66 : i32 to index
        %swap3A_68 = arith.index_cast %mul3A_62 : i32 to index
        %swap3A_69 = tpu.vector_load %arg20[%swap3A_67, %swap3A_68] {strides = array<i32>} : memref<8x128xf32, #tpu.memory_space<vmem>>, vector<16xf32>,
        tpu.vector_store %arg20[%swap3A_67, %swap3A_68], %sub3A_57 {strides = array<i32>} : memref<8x128xf32, #tpu.memory_space<vmem>>, vector<16xf32>,
        %swap3A_70 = arith.constant 2 : i32
        %swap3A_71 = arith.index_cast %swap3A_70 : i32 to index
        %swap3A_72 = arith.index_cast %mul3A_62 : i32 to index
        %swap3A_73 = tpu.vector_load %arg20[%swap3A_71, %swap3A_72] {strides = array<i32>} : memref<8x128xf32, #tpu.memory_space<vmem>>, vector<16xf32>,
        tpu.vector_store %arg20[%swap3A_71, %swap3A_72], %sub3A_60 {strides = array<i32>} : memref<8x128xf32, #tpu.memory_space<vmem>>, vector<16xf32>,
        %mul3A_74 = arith.mulf %sub3A, %sub3A : vector<16xf32>
        %swap3A_75 = arith.constant 3 : i32
        %swap3A_76 = arith.index_cast %swap3A_75 : i32 to index
        %swap3A_77 = arith.index_cast %mul3A_62 : i32 to index
        %swap3A_78 = tpu.vector_load %arg20[%swap3A_76, %swap3A_77] {strides = array<i32>} : memref<8x128xf32, #tpu.memory_space<vmem>>, vector<16xf32>,
        tpu.vector_store %arg20[%swap3A_76, %swap3A_77], %mul3A_74 {strides = array<i32>} : memref<8x128xf32, #tpu.memory_space<vmem>>, vector<16xf32>,
        %mul3A_79 = arith.mulf %sub3A_57, %sub3A_57 : vector<16xf32>
        %swap3A_80 = arith.constant 4 : i32
        %swap3A_81 = arith.index_cast %swap3A_80 : i32 to index
        %swap3A_82 = arith.index_cast %mul3A_62 : i32 to index
        %swap3A_83 = tpu.vector_load %arg20[%swap3A_81, %swap3A_82] {strides = array<i32>} : memref<8x128xf32, #tpu.memory_space<vmem>>, vector<16xf32>,
        tpu.vector_store %arg20[%swap3A_81, %swap3A_82], %mul3A_79 {strides = array<i32>} : memref<8x128xf32, #tpu.memory_space<vmem>>, vector<16xf32>,
        %mul3A_84 = arith.mulf %sub3A_60, %sub3A_60 : vector<16xf32>
        %swap3A_85 = arith.constant 5 : i32
        %swap3A_86 = arith.index_cast %swap3A_85 : i32 to index
        %swap3A_87 = arith.index_cast %mul3A_62 : i32 to index
        %swap3A_88 = tpu.vector_load %arg20[%swap3A_86, %swap3A_87] {strides = array<i32>} : memref<8x128xf32, #tpu.memory_space<vmem>>, vector<16xf32>,
        tpu.vector_store %arg20[%swap3A_86, %swap3A_87], %mul3A_84 {strides = array<i32>} : memref<8x128xf32, #tpu.memory_space<vmem>>, vector<16xf32>,
        %scan3A_89 = arith.constant 0 : i32
        scf.yield %scan3A_89 : i32
      }
      %scan3A_38 = arith.constant 8 : i32
      %dma_wait3A = arith.constant 0 : i32
      %dma_wait3A_39 = arith.constant 0 : i32
      %dma_wait3A_40 = tpu.memref_slice %arg2[%dma_wait3A, %dma_wait3A_39] : memref<10000x128xf32, #tpu.memory_space<hbm>> -> memref<10000x128xf32, #tpu.memory_space<hbm>>
      tpu.wait_indirect_dma semaphore(%arg21 : memref<!tpu.dma_semaphore, #tpu.memory_space<semaphore_mem>>) src(%dma_wait3A_40 : memref<10000x128xf32, #tpu.memory_space<hbm>>) dst(%arg19 : memref<128x128xf32, #tpu.memory_space<vmem>>)
      "tpu.region"() ({
        %run_scoped3A = tpu.sem_alloc : memref<!tpu.dma_semaphore, #tpu.memory_space<semaphore_mem>>
        %dma_start3A_42 = arith.constant 0 : i32
        %dma_start3A_43 = tpu.memref_slice %arg10[%mul3A_29, %dma_start3A_42] : memref<320000x128xf32, #tpu.memory_space<hbm>> -> memref<128x128xf32, #tpu.memory_space<hbm>>
        %dma_start3A_44 = arith.constant 0 : i32
        %dma_start3A_45 = tpu.memref_slice %arg10[%mul3A_29, %dma_start3A_44] : memref<320000x128xf32, #tpu.memory_space<hbm>> -> memref<128x128xf32, #tpu.memory_space<hbm>>
        tpu.enqueue_dma source(%arg19 : memref<128x128xf32, #tpu.memory_space<vmem>>) target(%dma_start3A_45 : memref<128x128xf32, #tpu.memory_space<hbm>>) target_semaphore(%run_scoped3A : memref<!tpu.dma_semaphore, #tpu.memory_space<semaphore_mem>>)
        %dma_wait3A_46 = arith.constant 0 : i32
        %dma_wait3A_47 = tpu.memref_slice %arg10[%mul3A_29, %dma_wait3A_46] : memref<320000x128xf32, #tpu.memory_space<hbm>> -> memref<128x128xf32, #tpu.memory_space<hbm>>
        %dma_wait3A_48 = arith.constant 0 : i32
        %dma_wait3A_49 = tpu.memref_slice %arg10[%mul3A_29, %dma_wait3A_48] : memref<320000x128xf32, #tpu.memory_space<hbm>> -> memref<128x128xf32, #tpu.memory_space<hbm>>
        tpu.wait_dma2 semaphore(%run_scoped3A : memref<!tpu.dma_semaphore, #tpu.memory_space<semaphore_mem>>) src(%arg19 : memref<128x128xf32, #tpu.memory_space<vmem>>) dst(%dma_wait3A_49 : memref<128x128xf32, #tpu.memory_space<hbm>>)
        tpu.yield
      }) : () -> ()
      "tpu.region"() ({
        %run_scoped3A = tpu.sem_alloc : memref<!tpu.dma_semaphore, #tpu.memory_space<semaphore_mem>>
        %dma_start3A_42 = arith.constant 0 : i32
        %dma_start3A_43 = tpu.memref_slice %arg11[%dma_start3A_42, %mul3A_29] : memref<8x320000xf32, #tpu.memory_space<hbm>> -> memref<8x128xf32, #tpu.memory_space<hbm>>
        %dma_start3A_44 = arith.constant 0 : i32
        %dma_start3A_45 = tpu.memref_slice %arg11[%dma_start3A_44, %mul3A_29] : memref<8x320000xf32, #tpu.memory_space<hbm>> -> memref<8x128xf32, #tpu.memory_space<hbm>>
        tpu.enqueue_dma source(%arg20 : memref<8x128xf32, #tpu.memory_space<vmem>>) target(%dma_start3A_45 : memref<8x128xf32, #tpu.memory_space<hbm>>) target_semaphore(%run_scoped3A : memref<!tpu.dma_semaphore, #tpu.memory_space<semaphore_mem>>)
        %dma_wait3A_46 = arith.constant 0 : i32
        %dma_wait3A_47 = tpu.memref_slice %arg11[%dma_wait3A_46, %mul3A_29] : memref<8x320000xf32, #tpu.memory_space<hbm>> -> memref<8x128xf32, #tpu.memory_space<hbm>>
        %dma_wait3A_48 = arith.constant 0 : i32
        %dma_wait3A_49 = tpu.memref_slice %arg11[%dma_wait3A_48, %mul3A_29] : memref<8x320000xf32, #tpu.memory_space<hbm>> -> memref<8x128xf32, #tpu.memory_space<hbm>>
        tpu.wait_dma2 semaphore(%run_scoped3A : memref<!tpu.dma_semaphore, #tpu.memory_space<semaphore_mem>>) src(%arg20 : memref<8x128xf32, #tpu.memory_space<vmem>>) dst(%dma_wait3A_49 : memref<8x128xf32, #tpu.memory_space<hbm>>)
        tpu.yield
      }) : () -> ()
      %while3A_41 = arith.constant 0 : i32
      scf.yield %while3A_41 : i32
    }
    return
  }
}

module attributes {stable_mosaic.version = 14 : i64} {
  func.func @_tc_body(%arg0: i32, %arg1: memref<25x128x128xf32, #tpu.memory_space<vmem>>, %arg2: memref<25x128x128xf32, #tpu.memory_space<vmem>>, %arg3: memref<25x128x128xf32, #tpu.memory_space<vmem>>, %arg4: memref<25x128x128xf32, #tpu.memory_space<vmem>>, %arg5: memref<8x12800xf32, #tpu.memory_space<vmem>>, %arg6: memref<64x8xf32, #tpu.memory_space<vmem>>, %arg7: memref<64x128xf32, #tpu.memory_space<vmem>>, %arg8: memref<16x128x128xf32, #tpu.memory_space<vmem>>, %arg9: memref<400x128xf32, #tpu.memory_space<vmem>>, %arg10: memref<64x12800xf32, #tpu.memory_space<vmem>>, %arg11: memref<100x64x128xf32, #tpu.memory_space<vmem>>) attributes {dimension_semantics = [#tpu.dimension_semantics<arbitrary>], iteration_bounds = array<i64: 25>, scalar_prefetch = 0 : i64, scratch_operands = 2 : i64, tpu.core_type = #tpu.core_type<tc>, window_params = [{transform_indices = @transform_0, window_bounds = array<i64: 25, 128, 128>}, {transform_indices = @transform_1, window_bounds = array<i64: 25, 128, 128>}, {transform_indices = @transform_2, window_bounds = array<i64: 25, 128, 128>}, {transform_indices = @transform_3, window_bounds = array<i64: 25, 128, 128>}, {transform_indices = @transform_4, window_bounds = array<i64: 8, 12800>}, {pipeline_mode = #tpu.pipeline_mode<synchronous>, transform_indices = @transform_5, window_bounds = array<i64: 64, 8>}, {pipeline_mode = #tpu.pipeline_mode<synchronous>, transform_indices = @transform_6, window_bounds = array<i64: 64, 128>}, {pipeline_mode = #tpu.pipeline_mode<synchronous>, transform_indices = @transform_7, window_bounds = array<i64: 16, 128, 128>}, {transform_indices = @transform_8, window_bounds = array<i64: 400, 128>}]} {
    %get3A = arith.constant 0 : index
    %get3A_0 = arith.constant 0 : index
    %get3A_1 = vector.load %arg6[%get3A, %get3A_0] : memref<64x8xf32, #tpu.memory_space<vmem>>, vector<64x8xf32>
    %get3A_2 = arith.constant 0 : index
    %get3A_3 = arith.constant 0 : index
    %get3A_4 = vector.load %arg5[%get3A_2, %get3A_3] : memref<8x12800xf32, #tpu.memory_space<vmem>>, vector<8x12800xf32>
    %dot_general3A = arith.constant dense<0.000000e+00> : vector<64x12800xf32>
    %dot_general3A_5 = tpu.matmul %get3A_1, %get3A_4, %dot_general3A {dimension_numbers = #tpu.dot_dimension_numbers<[1], [0], [0], [1], [0, 0, 1, 1], [], []>, precision = #tpu.contract_precision<fp32>, transpose_lhs_hint = false} : vector<64x8xf32>, vector<8x12800xf32>, vector<64x12800xf32> -> vector<64x12800xf32>
    %max3A = arith.constant 0.000000e+00 : f32
    %max3A_6 = vector.broadcast %max3A : f32 to vector<64x12800xf32>
    %max3A_7 = arith.maximumf %dot_general3A_5, %max3A_6 : vector<64x12800xf32>
    %sqrt3A = math.sqrt %max3A_7 : vector<64x12800xf32>
    %div3A = arith.constant 1.000000e+00 : f32
    %div3A_8 = vector.broadcast %div3A : f32 to vector<64x12800xf32>
    %div3A_9 = arith.divf %sqrt3A, %div3A_8 : vector<64x12800xf32>
    %sub3A = arith.constant 1.000000e+00 : f32
    %sub3A_10 = vector.broadcast %sub3A : f32 to vector<64x12800xf32>
    %sub3A_11 = arith.subf %sub3A_10, %div3A_9 : vector<64x12800xf32>
    %max3A_12 = arith.constant 0.000000e+00 : f32
    %max3A_13 = vector.broadcast %max3A_12 : f32 to vector<64x12800xf32>
    %max3A_14 = arith.maximumf %sub3A_11, %max3A_13 : vector<64x12800xf32>
    %swap3A = arith.constant 0 : index
    %swap3A_15 = arith.constant 0 : index
    %swap3A_16 = vector.load %arg10[%swap3A, %swap3A_15] : memref<64x12800xf32, #tpu.memory_space<vmem>>, vector<64x12800xf32>
    tpu.vector_store %arg10[%swap3A, %swap3A_15], %max3A_14 {strides = array<i32>} : memref<64x12800xf32, #tpu.memory_space<vmem>>, vector<64x12800xf32>,
    %get3A_17 = arith.constant 0 : index
    %get3A_18 = arith.constant 0 : index
    %get3A_19 = vector.load %arg7[%get3A_17, %get3A_18] : memref<64x128xf32, #tpu.memory_space<vmem>>, vector<64x128xf32>
    %scan3A = arith.constant 0 : i32
    %scan3A_20 = arith.constant 25 : i32
    %scan3A_21 = arith.addi %scan3A, %scan3A_20 : i32
    %scan3A_22 = arith.constant 1 : i32
    scf.for %scan3A_220 = %scan3A to %scan3A_21 step %scan3A_22  : i32 {
      %add3A_221 = arith.constant 0 : i32
      %add3A_222 = arith.addi %add3A_221, %scan3A_220 : i32
      %mul3A = arith.constant 128 : i32
      %mul3A_223 = arith.muli %add3A_222, %mul3A : i32
      %get3A_224 = arith.constant 0 : index
      %get3A_225 = arith.index_cast %mul3A_223 : i32 to index
      %get3A_226 = vector.load %arg10[%get3A_224, %get3A_225] : memref<64x12800xf32, #tpu.memory_space<vmem>>, vector<64x128xf32>
      %mul3A_227 = arith.mulf %get3A_226, %get3A_19 : vector<64x128xf32>
      %get3A_228 = arith.index_cast %scan3A_220 : i32 to index
      %get3A_229 = arith.constant 0 : index
      %get3A_230 = arith.constant 0 : index
      %get3A_231 = vector.load %arg1[%get3A_228, %get3A_229, %get3A_230] : memref<25x128x128xf32, #tpu.memory_space<vmem>>, vector<1x128x128xf32>
      %get3A_232 = vector.shape_cast %get3A_231 : vector<1x128x128xf32> to vector<128x128xf32>
      %dot_general3A_233 = arith.constant dense<0.000000e+00> : vector<64x128xf32>
      %dot_general3A_234 = tpu.matmul %mul3A_227, %get3A_232, %dot_general3A_233 {dimension_numbers = #tpu.dot_dimension_numbers<[1], [0], [0], [1], [0, 0, 1, 1], [], []>, transpose_lhs_hint = false} : vector<64x128xf32>, vector<128x128xf32>, vector<64x128xf32> -> vector<64x128xf32>
      %swap3A_235 = arith.index_cast %add3A_222 : i32 to index
      %swap3A_236 = arith.constant 0 : index
      %swap3A_237 = arith.constant 0 : index
      %swap3A_238 = vector.load %arg11[%swap3A_235, %swap3A_236, %swap3A_237] : memref<100x64x128xf32, #tpu.memory_space<vmem>>, vector<1x64x128xf32>
      %swap3A_239 = vector.shape_cast %swap3A_238 : vector<1x64x128xf32> to vector<64x128xf32>
      %swap3A_240 = vector.shape_cast %dot_general3A_234 : vector<64x128xf32> to vector<1x64x128xf32>
      tpu.vector_store %arg11[%swap3A_235, %swap3A_236, %swap3A_237], %swap3A_240 {strides = array<i32>} : memref<100x64x128xf32, #tpu.memory_space<vmem>>, vector<1x64x128xf32>,
    }
    %scan3A_23 = arith.constant 25 : i32
    %scan3A_24 = arith.constant 0 : i32
    %scan3A_25 = arith.constant 25 : i32
    %scan3A_26 = arith.addi %scan3A_24, %scan3A_25 : i32
    %scan3A_27 = arith.constant 1 : i32
    scf.for %scan3A_220 = %scan3A_24 to %scan3A_26 step %scan3A_27  : i32 {
      %add3A_221 = arith.constant 25 : i32
      %add3A_222 = arith.addi %add3A_221, %scan3A_220 : i32
      %mul3A = arith.constant 128 : i32
      %mul3A_223 = arith.muli %add3A_222, %mul3A : i32
      %get3A_224 = arith.constant 0 : index
      %get3A_225 = arith.index_cast %mul3A_223 : i32 to index
      %get3A_226 = vector.load %arg10[%get3A_224, %get3A_225] : memref<64x12800xf32, #tpu.memory_space<vmem>>, vector<64x128xf32>
      %mul3A_227 = arith.mulf %get3A_226, %get3A_19 : vector<64x128xf32>
      %get3A_228 = arith.index_cast %scan3A_220 : i32 to index
      %get3A_229 = arith.constant 0 : index
      %get3A_230 = arith.constant 0 : index
      %get3A_231 = vector.load %arg2[%get3A_228, %get3A_229, %get3A_230] : memref<25x128x128xf32, #tpu.memory_space<vmem>>, vector<1x128x128xf32>
      %get3A_232 = vector.shape_cast %get3A_231 : vector<1x128x128xf32> to vector<128x128xf32>
      %dot_general3A_233 = arith.constant dense<0.000000e+00> : vector<64x128xf32>
      %dot_general3A_234 = tpu.matmul %mul3A_227, %get3A_232, %dot_general3A_233 {dimension_numbers = #tpu.dot_dimension_numbers<[1], [0], [0], [1], [0, 0, 1, 1], [], []>, transpose_lhs_hint = false} : vector<64x128xf32>, vector<128x128xf32>, vector<64x128xf32> -> vector<64x128xf32>
      %swap3A_235 = arith.index_cast %add3A_222 : i32 to index
      %swap3A_236 = arith.constant 0 : index
      %swap3A_237 = arith.constant 0 : index
      %swap3A_238 = vector.load %arg11[%swap3A_235, %swap3A_236, %swap3A_237] : memref<100x64x128xf32, #tpu.memory_space<vmem>>, vector<1x64x128xf32>
      %swap3A_239 = vector.shape_cast %swap3A_238 : vector<1x64x128xf32> to vector<64x128xf32>
      %swap3A_240 = vector.shape_cast %dot_general3A_234 : vector<64x128xf32> to vector<1x64x128xf32>
      tpu.vector_store %arg11[%swap3A_235, %swap3A_236, %swap3A_237], %swap3A_240 {strides = array<i32>} : memref<100x64x128xf32, #tpu.memory_space<vmem>>, vector<1x64x128xf32>,
    }
    %scan3A_28 = arith.constant 25 : i32
    %scan3A_29 = arith.constant 0 : i32
    %scan3A_30 = arith.constant 25 : i32
    %scan3A_31 = arith.addi %scan3A_29, %scan3A_30 : i32
    %scan3A_32 = arith.constant 1 : i32
    scf.for %scan3A_220 = %scan3A_29 to %scan3A_31 step %scan3A_32  : i32 {
      %add3A_221 = arith.constant 50 : i32
      %add3A_222 = arith.addi %add3A_221, %scan3A_220 : i32
      %mul3A = arith.constant 128 : i32
      %mul3A_223 = arith.muli %add3A_222, %mul3A : i32
      %get3A_224 = arith.constant 0 : index
      %get3A_225 = arith.index_cast %mul3A_223 : i32 to index
      %get3A_226 = vector.load %arg10[%get3A_224, %get3A_225] : memref<64x12800xf32, #tpu.memory_space<vmem>>, vector<64x128xf32>
      %mul3A_227 = arith.mulf %get3A_226, %get3A_19 : vector<64x128xf32>
      %get3A_228 = arith.index_cast %scan3A_220 : i32 to index
      %get3A_229 = arith.constant 0 : index
      %get3A_230 = arith.constant 0 : index
      %get3A_231 = vector.load %arg3[%get3A_228, %get3A_229, %get3A_230] : memref<25x128x128xf32, #tpu.memory_space<vmem>>, vector<1x128x128xf32>
      %get3A_232 = vector.shape_cast %get3A_231 : vector<1x128x128xf32> to vector<128x128xf32>
      %dot_general3A_233 = arith.constant dense<0.000000e+00> : vector<64x128xf32>
      %dot_general3A_234 = tpu.matmul %mul3A_227, %get3A_232, %dot_general3A_233 {dimension_numbers = #tpu.dot_dimension_numbers<[1], [0], [0], [1], [0, 0, 1, 1], [], []>, transpose_lhs_hint = false} : vector<64x128xf32>, vector<128x128xf32>, vector<64x128xf32> -> vector<64x128xf32>
      %swap3A_235 = arith.index_cast %add3A_222 : i32 to index
      %swap3A_236 = arith.constant 0 : index
      %swap3A_237 = arith.constant 0 : index
      %swap3A_238 = vector.load %arg11[%swap3A_235, %swap3A_236, %swap3A_237] : memref<100x64x128xf32, #tpu.memory_space<vmem>>, vector<1x64x128xf32>
      %swap3A_239 = vector.shape_cast %swap3A_238 : vector<1x64x128xf32> to vector<64x128xf32>
      %swap3A_240 = vector.shape_cast %dot_general3A_234 : vector<64x128xf32> to vector<1x64x128xf32>
      tpu.vector_store %arg11[%swap3A_235, %swap3A_236, %swap3A_237], %swap3A_240 {strides = array<i32>} : memref<100x64x128xf32, #tpu.memory_space<vmem>>, vector<1x64x128xf32>,
    }
    %scan3A_33 = arith.constant 25 : i32
    %scan3A_34 = arith.constant 0 : i32
    %scan3A_35 = arith.constant 25 : i32
    %scan3A_36 = arith.addi %scan3A_34, %scan3A_35 : i32
    %scan3A_37 = arith.constant 1 : i32
    scf.for %scan3A_220 = %scan3A_34 to %scan3A_36 step %scan3A_37  : i32 {
      %add3A_221 = arith.constant 75 : i32
      %add3A_222 = arith.addi %add3A_221, %scan3A_220 : i32
      %mul3A = arith.constant 128 : i32
      %mul3A_223 = arith.muli %add3A_222, %mul3A : i32
      %get3A_224 = arith.constant 0 : index
      %get3A_225 = arith.index_cast %mul3A_223 : i32 to index
      %get3A_226 = vector.load %arg10[%get3A_224, %get3A_225] : memref<64x12800xf32, #tpu.memory_space<vmem>>, vector<64x128xf32>
      %mul3A_227 = arith.mulf %get3A_226, %get3A_19 : vector<64x128xf32>
      %get3A_228 = arith.index_cast %scan3A_220 : i32 to index
      %get3A_229 = arith.constant 0 : index
      %get3A_230 = arith.constant 0 : index
      %get3A_231 = vector.load %arg4[%get3A_228, %get3A_229, %get3A_230] : memref<25x128x128xf32, #tpu.memory_space<vmem>>, vector<1x128x128xf32>
      %get3A_232 = vector.shape_cast %get3A_231 : vector<1x128x128xf32> to vector<128x128xf32>
      %dot_general3A_233 = arith.constant dense<0.000000e+00> : vector<64x128xf32>
      %dot_general3A_234 = tpu.matmul %mul3A_227, %get3A_232, %dot_general3A_233 {dimension_numbers = #tpu.dot_dimension_numbers<[1], [0], [0], [1], [0, 0, 1, 1], [], []>, transpose_lhs_hint = false} : vector<64x128xf32>, vector<128x128xf32>, vector<64x128xf32> -> vector<64x128xf32>
      %swap3A_235 = arith.index_cast %add3A_222 : i32 to index
      %swap3A_236 = arith.constant 0 : index
      %swap3A_237 = arith.constant 0 : index
      %swap3A_238 = vector.load %arg11[%swap3A_235, %swap3A_236, %swap3A_237] : memref<100x64x128xf32, #tpu.memory_space<vmem>>, vector<1x64x128xf32>
      %swap3A_239 = vector.shape_cast %swap3A_238 : vector<1x64x128xf32> to vector<64x128xf32>
      %swap3A_240 = vector.shape_cast %dot_general3A_234 : vector<64x128xf32> to vector<1x64x128xf32>
      tpu.vector_store %arg11[%swap3A_235, %swap3A_236, %swap3A_237], %swap3A_240 {strides = array<i32>} : memref<100x64x128xf32, #tpu.memory_space<vmem>>, vector<1x64x128xf32>,
    }
    %scan3A_38 = arith.constant 25 : i32
    %get3A_39 = arith.constant 0 : index
    %get3A_40 = arith.constant 0 : index
    %get3A_41 = arith.constant 0 : index
    %get3A_42 = vector.load %arg11[%get3A_39, %get3A_40, %get3A_41] : memref<100x64x128xf32, #tpu.memory_space<vmem>>, vector<100x64x128xf32>
    %reshape3A = vector.shape_cast %get3A_42 : vector<100x64x128xf32> to vector<100x16x4x128xf32>
    %broadcast_in_dim3A = arith.constant 0.000000e+00 : f32
    %broadcast_in_dim3A_43 = vector.broadcast %broadcast_in_dim3A : f32 to vector<400x128xf32>
    %slice3A = vector.extract_strided_slice %reshape3A {offsets = [0, 0, 0, 0], sizes = [100, 1, 4, 128], strides = [1, 1, 1, 1]} : vector<100x16x4x128xf32> to vector<100x1x4x128xf32>
    %squeeze3A = vector.shape_cast %slice3A : vector<100x1x4x128xf32> to vector<100x4x128xf32>
    %reshape3A_44 = vector.shape_cast %squeeze3A : vector<100x4x128xf32> to vector<400x128xf32>
    %get3A_45 = arith.constant 0 : index
    %get3A_46 = arith.constant 0 : index
    %get3A_47 = arith.constant 0 : index
    %get3A_48 = vector.load %arg8[%get3A_45, %get3A_46, %get3A_47] : memref<16x128x128xf32, #tpu.memory_space<vmem>>, vector<1x128x128xf32>
    %get3A_49 = vector.shape_cast %get3A_48 : vector<1x128x128xf32> to vector<128x128xf32>
    %dot_general3A_50 = arith.constant dense<0.000000e+00> : vector<400x128xf32>
    %dot_general3A_51 = tpu.matmul %reshape3A_44, %get3A_49, %dot_general3A_50 {dimension_numbers = #tpu.dot_dimension_numbers<[1], [0], [0], [1], [0, 0, 1, 1], [], []>, transpose_lhs_hint = false} : vector<400x128xf32>, vector<128x128xf32>, vector<400x128xf32> -> vector<400x128xf32>
    %add3A = arith.addf %broadcast_in_dim3A_43, %dot_general3A_51 : vector<400x128xf32>
    %slice3A_52 = vector.extract_strided_slice %reshape3A {offsets = [0, 1, 0, 0], sizes = [100, 1, 4, 128], strides = [1, 1, 1, 1]} : vector<100x16x4x128xf32> to vector<100x1x4x128xf32>
    %squeeze3A_53 = vector.shape_cast %slice3A_52 : vector<100x1x4x128xf32> to vector<100x4x128xf32>
    %reshape3A_54 = vector.shape_cast %squeeze3A_53 : vector<100x4x128xf32> to vector<400x128xf32>
    %get3A_55 = arith.constant 1 : index
    %get3A_56 = arith.constant 0 : index
    %get3A_57 = arith.constant 0 : index
    %get3A_58 = vector.load %arg8[%get3A_55, %get3A_56, %get3A_57] : memref<16x128x128xf32, #tpu.memory_space<vmem>>, vector<1x128x128xf32>
    %get3A_59 = vector.shape_cast %get3A_58 : vector<1x128x128xf32> to vector<128x128xf32>
    %dot_general3A_60 = arith.constant dense<0.000000e+00> : vector<400x128xf32>
    %dot_general3A_61 = tpu.matmul %reshape3A_54, %get3A_59, %dot_general3A_60 {dimension_numbers = #tpu.dot_dimension_numbers<[1], [0], [0], [1], [0, 0, 1, 1], [], []>, transpose_lhs_hint = false} : vector<400x128xf32>, vector<128x128xf32>, vector<400x128xf32> -> vector<400x128xf32>
    %add3A_62 = arith.addf %add3A, %dot_general3A_61 : vector<400x128xf32>
    %slice3A_63 = vector.extract_strided_slice %reshape3A {offsets = [0, 2, 0, 0], sizes = [100, 1, 4, 128], strides = [1, 1, 1, 1]} : vector<100x16x4x128xf32> to vector<100x1x4x128xf32>
    %squeeze3A_64 = vector.shape_cast %slice3A_63 : vector<100x1x4x128xf32> to vector<100x4x128xf32>
    %reshape3A_65 = vector.shape_cast %squeeze3A_64 : vector<100x4x128xf32> to vector<400x128xf32>
    %get3A_66 = arith.constant 2 : index
    %get3A_67 = arith.constant 0 : index
    %get3A_68 = arith.constant 0 : index
    %get3A_69 = vector.load %arg8[%get3A_66, %get3A_67, %get3A_68] : memref<16x128x128xf32, #tpu.memory_space<vmem>>, vector<1x128x128xf32>
    %get3A_70 = vector.shape_cast %get3A_69 : vector<1x128x128xf32> to vector<128x128xf32>
    %dot_general3A_71 = arith.constant dense<0.000000e+00> : vector<400x128xf32>
    %dot_general3A_72 = tpu.matmul %reshape3A_65, %get3A_70, %dot_general3A_71 {dimension_numbers = #tpu.dot_dimension_numbers<[1], [0], [0], [1], [0, 0, 1, 1], [], []>, transpose_lhs_hint = false} : vector<400x128xf32>, vector<128x128xf32>, vector<400x128xf32> -> vector<400x128xf32>
    %add3A_73 = arith.addf %add3A_62, %dot_general3A_72 : vector<400x128xf32>
    %slice3A_74 = vector.extract_strided_slice %reshape3A {offsets = [0, 3, 0, 0], sizes = [100, 1, 4, 128], strides = [1, 1, 1, 1]} : vector<100x16x4x128xf32> to vector<100x1x4x128xf32>
    %squeeze3A_75 = vector.shape_cast %slice3A_74 : vector<100x1x4x128xf32> to vector<100x4x128xf32>
    %reshape3A_76 = vector.shape_cast %squeeze3A_75 : vector<100x4x128xf32> to vector<400x128xf32>
    %get3A_77 = arith.constant 3 : index
    %get3A_78 = arith.constant 0 : index
    %get3A_79 = arith.constant 0 : index
    %get3A_80 = vector.load %arg8[%get3A_77, %get3A_78, %get3A_79] : memref<16x128x128xf32, #tpu.memory_space<vmem>>, vector<1x128x128xf32>
    %get3A_81 = vector.shape_cast %get3A_80 : vector<1x128x128xf32> to vector<128x128xf32>
    %dot_general3A_82 = arith.constant dense<0.000000e+00> : vector<400x128xf32>
    %dot_general3A_83 = tpu.matmul %reshape3A_76, %get3A_81, %dot_general3A_82 {dimension_numbers = #tpu.dot_dimension_numbers<[1], [0], [0], [1], [0, 0, 1, 1], [], []>, transpose_lhs_hint = false} : vector<400x128xf32>, vector<128x128xf32>, vector<400x128xf32> -> vector<400x128xf32>
    %add3A_84 = arith.addf %add3A_73, %dot_general3A_83 : vector<400x128xf32>
    %slice3A_85 = vector.extract_strided_slice %reshape3A {offsets = [0, 4, 0, 0], sizes = [100, 1, 4, 128], strides = [1, 1, 1, 1]} : vector<100x16x4x128xf32> to vector<100x1x4x128xf32>
    %squeeze3A_86 = vector.shape_cast %slice3A_85 : vector<100x1x4x128xf32> to vector<100x4x128xf32>
    %reshape3A_87 = vector.shape_cast %squeeze3A_86 : vector<100x4x128xf32> to vector<400x128xf32>
    %get3A_88 = arith.constant 4 : index
    %get3A_89 = arith.constant 0 : index
    %get3A_90 = arith.constant 0 : index
    %get3A_91 = vector.load %arg8[%get3A_88, %get3A_89, %get3A_90] : memref<16x128x128xf32, #tpu.memory_space<vmem>>, vector<1x128x128xf32>
    %get3A_92 = vector.shape_cast %get3A_91 : vector<1x128x128xf32> to vector<128x128xf32>
    %dot_general3A_93 = arith.constant dense<0.000000e+00> : vector<400x128xf32>
    %dot_general3A_94 = tpu.matmul %reshape3A_87, %get3A_92, %dot_general3A_93 {dimension_numbers = #tpu.dot_dimension_numbers<[1], [0], [0], [1], [0, 0, 1, 1], [], []>, transpose_lhs_hint = false} : vector<400x128xf32>, vector<128x128xf32>, vector<400x128xf32> -> vector<400x128xf32>
    %add3A_95 = arith.addf %add3A_84, %dot_general3A_94 : vector<400x128xf32>
    %slice3A_96 = vector.extract_strided_slice %reshape3A {offsets = [0, 5, 0, 0], sizes = [100, 1, 4, 128], strides = [1, 1, 1, 1]} : vector<100x16x4x128xf32> to vector<100x1x4x128xf32>
    %squeeze3A_97 = vector.shape_cast %slice3A_96 : vector<100x1x4x128xf32> to vector<100x4x128xf32>
    %reshape3A_98 = vector.shape_cast %squeeze3A_97 : vector<100x4x128xf32> to vector<400x128xf32>
    %get3A_99 = arith.constant 5 : index
    %get3A_100 = arith.constant 0 : index
    %get3A_101 = arith.constant 0 : index
    %get3A_102 = vector.load %arg8[%get3A_99, %get3A_100, %get3A_101] : memref<16x128x128xf32, #tpu.memory_space<vmem>>, vector<1x128x128xf32>
    %get3A_103 = vector.shape_cast %get3A_102 : vector<1x128x128xf32> to vector<128x128xf32>
    %dot_general3A_104 = arith.constant dense<0.000000e+00> : vector<400x128xf32>
    %dot_general3A_105 = tpu.matmul %reshape3A_98, %get3A_103, %dot_general3A_104 {dimension_numbers = #tpu.dot_dimension_numbers<[1], [0], [0], [1], [0, 0, 1, 1], [], []>, transpose_lhs_hint = false} : vector<400x128xf32>, vector<128x128xf32>, vector<400x128xf32> -> vector<400x128xf32>
    %add3A_106 = arith.addf %add3A_95, %dot_general3A_105 : vector<400x128xf32>
    %slice3A_107 = vector.extract_strided_slice %reshape3A {offsets = [0, 6, 0, 0], sizes = [100, 1, 4, 128], strides = [1, 1, 1, 1]} : vector<100x16x4x128xf32> to vector<100x1x4x128xf32>
    %squeeze3A_108 = vector.shape_cast %slice3A_107 : vector<100x1x4x128xf32> to vector<100x4x128xf32>
    %reshape3A_109 = vector.shape_cast %squeeze3A_108 : vector<100x4x128xf32> to vector<400x128xf32>
    %get3A_110 = arith.constant 6 : index
    %get3A_111 = arith.constant 0 : index
    %get3A_112 = arith.constant 0 : index
    %get3A_113 = vector.load %arg8[%get3A_110, %get3A_111, %get3A_112] : memref<16x128x128xf32, #tpu.memory_space<vmem>>, vector<1x128x128xf32>
    %get3A_114 = vector.shape_cast %get3A_113 : vector<1x128x128xf32> to vector<128x128xf32>
    %dot_general3A_115 = arith.constant dense<0.000000e+00> : vector<400x128xf32>
    %dot_general3A_116 = tpu.matmul %reshape3A_109, %get3A_114, %dot_general3A_115 {dimension_numbers = #tpu.dot_dimension_numbers<[1], [0], [0], [1], [0, 0, 1, 1], [], []>, transpose_lhs_hint = false} : vector<400x128xf32>, vector<128x128xf32>, vector<400x128xf32> -> vector<400x128xf32>
    %add3A_117 = arith.addf %add3A_106, %dot_general3A_116 : vector<400x128xf32>
    %slice3A_118 = vector.extract_strided_slice %reshape3A {offsets = [0, 7, 0, 0], sizes = [100, 1, 4, 128], strides = [1, 1, 1, 1]} : vector<100x16x4x128xf32> to vector<100x1x4x128xf32>
    %squeeze3A_119 = vector.shape_cast %slice3A_118 : vector<100x1x4x128xf32> to vector<100x4x128xf32>
    %reshape3A_120 = vector.shape_cast %squeeze3A_119 : vector<100x4x128xf32> to vector<400x128xf32>
    %get3A_121 = arith.constant 7 : index
    %get3A_122 = arith.constant 0 : index
    %get3A_123 = arith.constant 0 : index
    %get3A_124 = vector.load %arg8[%get3A_121, %get3A_122, %get3A_123] : memref<16x128x128xf32, #tpu.memory_space<vmem>>, vector<1x128x128xf32>
    %get3A_125 = vector.shape_cast %get3A_124 : vector<1x128x128xf32> to vector<128x128xf32>
    %dot_general3A_126 = arith.constant dense<0.000000e+00> : vector<400x128xf32>
    %dot_general3A_127 = tpu.matmul %reshape3A_120, %get3A_125, %dot_general3A_126 {dimension_numbers = #tpu.dot_dimension_numbers<[1], [0], [0], [1], [0, 0, 1, 1], [], []>, transpose_lhs_hint = false} : vector<400x128xf32>, vector<128x128xf32>, vector<400x128xf32> -> vector<400x128xf32>
    %add3A_128 = arith.addf %add3A_117, %dot_general3A_127 : vector<400x128xf32>
    %slice3A_129 = vector.extract_strided_slice %reshape3A {offsets = [0, 8, 0, 0], sizes = [100, 1, 4, 128], strides = [1, 1, 1, 1]} : vector<100x16x4x128xf32> to vector<100x1x4x128xf32>
    %squeeze3A_130 = vector.shape_cast %slice3A_129 : vector<100x1x4x128xf32> to vector<100x4x128xf32>
    %reshape3A_131 = vector.shape_cast %squeeze3A_130 : vector<100x4x128xf32> to vector<400x128xf32>
    %get3A_132 = arith.constant 8 : index
    %get3A_133 = arith.constant 0 : index
    %get3A_134 = arith.constant 0 : index
    %get3A_135 = vector.load %arg8[%get3A_132, %get3A_133, %get3A_134] : memref<16x128x128xf32, #tpu.memory_space<vmem>>, vector<1x128x128xf32>
    %get3A_136 = vector.shape_cast %get3A_135 : vector<1x128x128xf32> to vector<128x128xf32>
    %dot_general3A_137 = arith.constant dense<0.000000e+00> : vector<400x128xf32>
    %dot_general3A_138 = tpu.matmul %reshape3A_131, %get3A_136, %dot_general3A_137 {dimension_numbers = #tpu.dot_dimension_numbers<[1], [0], [0], [1], [0, 0, 1, 1], [], []>, transpose_lhs_hint = false} : vector<400x128xf32>, vector<128x128xf32>, vector<400x128xf32> -> vector<400x128xf32>
    %add3A_139 = arith.addf %add3A_128, %dot_general3A_138 : vector<400x128xf32>
    %slice3A_140 = vector.extract_strided_slice %reshape3A {offsets = [0, 9, 0, 0], sizes = [100, 1, 4, 128], strides = [1, 1, 1, 1]} : vector<100x16x4x128xf32> to vector<100x1x4x128xf32>
    %squeeze3A_141 = vector.shape_cast %slice3A_140 : vector<100x1x4x128xf32> to vector<100x4x128xf32>
    %reshape3A_142 = vector.shape_cast %squeeze3A_141 : vector<100x4x128xf32> to vector<400x128xf32>
    %get3A_143 = arith.constant 9 : index
    %get3A_144 = arith.constant 0 : index
    %get3A_145 = arith.constant 0 : index
    %get3A_146 = vector.load %arg8[%get3A_143, %get3A_144, %get3A_145] : memref<16x128x128xf32, #tpu.memory_space<vmem>>, vector<1x128x128xf32>
    %get3A_147 = vector.shape_cast %get3A_146 : vector<1x128x128xf32> to vector<128x128xf32>
    %dot_general3A_148 = arith.constant dense<0.000000e+00> : vector<400x128xf32>
    %dot_general3A_149 = tpu.matmul %reshape3A_142, %get3A_147, %dot_general3A_148 {dimension_numbers = #tpu.dot_dimension_numbers<[1], [0], [0], [1], [0, 0, 1, 1], [], []>, transpose_lhs_hint = false} : vector<400x128xf32>, vector<128x128xf32>, vector<400x128xf32> -> vector<400x128xf32>
    %add3A_150 = arith.addf %add3A_139, %dot_general3A_149 : vector<400x128xf32>
    %slice3A_151 = vector.extract_strided_slice %reshape3A {offsets = [0, 10, 0, 0], sizes = [100, 1, 4, 128], strides = [1, 1, 1, 1]} : vector<100x16x4x128xf32> to vector<100x1x4x128xf32>
    %squeeze3A_152 = vector.shape_cast %slice3A_151 : vector<100x1x4x128xf32> to vector<100x4x128xf32>
    %reshape3A_153 = vector.shape_cast %squeeze3A_152 : vector<100x4x128xf32> to vector<400x128xf32>
    %get3A_154 = arith.constant 10 : index
    %get3A_155 = arith.constant 0 : index
    %get3A_156 = arith.constant 0 : index
    %get3A_157 = vector.load %arg8[%get3A_154, %get3A_155, %get3A_156] : memref<16x128x128xf32, #tpu.memory_space<vmem>>, vector<1x128x128xf32>
    %get3A_158 = vector.shape_cast %get3A_157 : vector<1x128x128xf32> to vector<128x128xf32>
    %dot_general3A_159 = arith.constant dense<0.000000e+00> : vector<400x128xf32>
    %dot_general3A_160 = tpu.matmul %reshape3A_153, %get3A_158, %dot_general3A_159 {dimension_numbers = #tpu.dot_dimension_numbers<[1], [0], [0], [1], [0, 0, 1, 1], [], []>, transpose_lhs_hint = false} : vector<400x128xf32>, vector<128x128xf32>, vector<400x128xf32> -> vector<400x128xf32>
    %add3A_161 = arith.addf %add3A_150, %dot_general3A_160 : vector<400x128xf32>
    %slice3A_162 = vector.extract_strided_slice %reshape3A {offsets = [0, 11, 0, 0], sizes = [100, 1, 4, 128], strides = [1, 1, 1, 1]} : vector<100x16x4x128xf32> to vector<100x1x4x128xf32>
    %squeeze3A_163 = vector.shape_cast %slice3A_162 : vector<100x1x4x128xf32> to vector<100x4x128xf32>
    %reshape3A_164 = vector.shape_cast %squeeze3A_163 : vector<100x4x128xf32> to vector<400x128xf32>
    %get3A_165 = arith.constant 11 : index
    %get3A_166 = arith.constant 0 : index
    %get3A_167 = arith.constant 0 : index
    %get3A_168 = vector.load %arg8[%get3A_165, %get3A_166, %get3A_167] : memref<16x128x128xf32, #tpu.memory_space<vmem>>, vector<1x128x128xf32>
    %get3A_169 = vector.shape_cast %get3A_168 : vector<1x128x128xf32> to vector<128x128xf32>
    %dot_general3A_170 = arith.constant dense<0.000000e+00> : vector<400x128xf32>
    %dot_general3A_171 = tpu.matmul %reshape3A_164, %get3A_169, %dot_general3A_170 {dimension_numbers = #tpu.dot_dimension_numbers<[1], [0], [0], [1], [0, 0, 1, 1], [], []>, transpose_lhs_hint = false} : vector<400x128xf32>, vector<128x128xf32>, vector<400x128xf32> -> vector<400x128xf32>
    %add3A_172 = arith.addf %add3A_161, %dot_general3A_171 : vector<400x128xf32>
    %slice3A_173 = vector.extract_strided_slice %reshape3A {offsets = [0, 12, 0, 0], sizes = [100, 1, 4, 128], strides = [1, 1, 1, 1]} : vector<100x16x4x128xf32> to vector<100x1x4x128xf32>
    %squeeze3A_174 = vector.shape_cast %slice3A_173 : vector<100x1x4x128xf32> to vector<100x4x128xf32>
    %reshape3A_175 = vector.shape_cast %squeeze3A_174 : vector<100x4x128xf32> to vector<400x128xf32>
    %get3A_176 = arith.constant 12 : index
    %get3A_177 = arith.constant 0 : index
    %get3A_178 = arith.constant 0 : index
    %get3A_179 = vector.load %arg8[%get3A_176, %get3A_177, %get3A_178] : memref<16x128x128xf32, #tpu.memory_space<vmem>>, vector<1x128x128xf32>
    %get3A_180 = vector.shape_cast %get3A_179 : vector<1x128x128xf32> to vector<128x128xf32>
    %dot_general3A_181 = arith.constant dense<0.000000e+00> : vector<400x128xf32>
    %dot_general3A_182 = tpu.matmul %reshape3A_175, %get3A_180, %dot_general3A_181 {dimension_numbers = #tpu.dot_dimension_numbers<[1], [0], [0], [1], [0, 0, 1, 1], [], []>, transpose_lhs_hint = false} : vector<400x128xf32>, vector<128x128xf32>, vector<400x128xf32> -> vector<400x128xf32>
    %add3A_183 = arith.addf %add3A_172, %dot_general3A_182 : vector<400x128xf32>
    %slice3A_184 = vector.extract_strided_slice %reshape3A {offsets = [0, 13, 0, 0], sizes = [100, 1, 4, 128], strides = [1, 1, 1, 1]} : vector<100x16x4x128xf32> to vector<100x1x4x128xf32>
    %squeeze3A_185 = vector.shape_cast %slice3A_184 : vector<100x1x4x128xf32> to vector<100x4x128xf32>
    %reshape3A_186 = vector.shape_cast %squeeze3A_185 : vector<100x4x128xf32> to vector<400x128xf32>
    %get3A_187 = arith.constant 13 : index
    %get3A_188 = arith.constant 0 : index
    %get3A_189 = arith.constant 0 : index
    %get3A_190 = vector.load %arg8[%get3A_187, %get3A_188, %get3A_189] : memref<16x128x128xf32, #tpu.memory_space<vmem>>, vector<1x128x128xf32>
    %get3A_191 = vector.shape_cast %get3A_190 : vector<1x128x128xf32> to vector<128x128xf32>
    %dot_general3A_192 = arith.constant dense<0.000000e+00> : vector<400x128xf32>
    %dot_general3A_193 = tpu.matmul %reshape3A_186, %get3A_191, %dot_general3A_192 {dimension_numbers = #tpu.dot_dimension_numbers<[1], [0], [0], [1], [0, 0, 1, 1], [], []>, transpose_lhs_hint = false} : vector<400x128xf32>, vector<128x128xf32>, vector<400x128xf32> -> vector<400x128xf32>
    %add3A_194 = arith.addf %add3A_183, %dot_general3A_193 : vector<400x128xf32>
    %slice3A_195 = vector.extract_strided_slice %reshape3A {offsets = [0, 14, 0, 0], sizes = [100, 1, 4, 128], strides = [1, 1, 1, 1]} : vector<100x16x4x128xf32> to vector<100x1x4x128xf32>
    %squeeze3A_196 = vector.shape_cast %slice3A_195 : vector<100x1x4x128xf32> to vector<100x4x128xf32>
    %reshape3A_197 = vector.shape_cast %squeeze3A_196 : vector<100x4x128xf32> to vector<400x128xf32>
    %get3A_198 = arith.constant 14 : index
    %get3A_199 = arith.constant 0 : index
    %get3A_200 = arith.constant 0 : index
    %get3A_201 = vector.load %arg8[%get3A_198, %get3A_199, %get3A_200] : memref<16x128x128xf32, #tpu.memory_space<vmem>>, vector<1x128x128xf32>
    %get3A_202 = vector.shape_cast %get3A_201 : vector<1x128x128xf32> to vector<128x128xf32>
    %dot_general3A_203 = arith.constant dense<0.000000e+00> : vector<400x128xf32>
    %dot_general3A_204 = tpu.matmul %reshape3A_197, %get3A_202, %dot_general3A_203 {dimension_numbers = #tpu.dot_dimension_numbers<[1], [0], [0], [1], [0, 0, 1, 1], [], []>, transpose_lhs_hint = false} : vector<400x128xf32>, vector<128x128xf32>, vector<400x128xf32> -> vector<400x128xf32>
    %add3A_205 = arith.addf %add3A_194, %dot_general3A_204 : vector<400x128xf32>
    %slice3A_206 = vector.extract_strided_slice %reshape3A {offsets = [0, 15, 0, 0], sizes = [100, 1, 4, 128], strides = [1, 1, 1, 1]} : vector<100x16x4x128xf32> to vector<100x1x4x128xf32>
    %squeeze3A_207 = vector.shape_cast %slice3A_206 : vector<100x1x4x128xf32> to vector<100x4x128xf32>
    %reshape3A_208 = vector.shape_cast %squeeze3A_207 : vector<100x4x128xf32> to vector<400x128xf32>
    %get3A_209 = arith.constant 15 : index
    %get3A_210 = arith.constant 0 : index
    %get3A_211 = arith.constant 0 : index
    %get3A_212 = vector.load %arg8[%get3A_209, %get3A_210, %get3A_211] : memref<16x128x128xf32, #tpu.memory_space<vmem>>, vector<1x128x128xf32>
    %get3A_213 = vector.shape_cast %get3A_212 : vector<1x128x128xf32> to vector<128x128xf32>
    %dot_general3A_214 = arith.constant dense<0.000000e+00> : vector<400x128xf32>
    %dot_general3A_215 = tpu.matmul %reshape3A_208, %get3A_213, %dot_general3A_214 {dimension_numbers = #tpu.dot_dimension_numbers<[1], [0], [0], [1], [0, 0, 1, 1], [], []>, transpose_lhs_hint = false} : vector<400x128xf32>, vector<128x128xf32>, vector<400x128xf32> -> vector<400x128xf32>
    %add3A_216 = arith.addf %add3A_205, %dot_general3A_215 : vector<400x128xf32>
    %swap3A_217 = arith.constant 0 : index
    %swap3A_218 = arith.constant 0 : index
    %swap3A_219 = vector.load %arg9[%swap3A_217, %swap3A_218] : memref<400x128xf32, #tpu.memory_space<vmem>>, vector<400x128xf32>
    tpu.vector_store %arg9[%swap3A_217, %swap3A_218], %add3A_216 {strides = array<i32>} : memref<400x128xf32, #tpu.memory_space<vmem>>, vector<400x128xf32>,
    return
  }
  func.func @transform_0(%arg0: i32) -> (i32, i32, i32) {
    %mul3A = arith.constant 4 : i32
    %mul3A_0 = arith.muli %mul3A, %arg0 : i32
    %c0_i32 = arith.constant 0 : i32
    %c0_i32_1 = arith.constant 0 : i32
    %c0_i32_2 = arith.constant 0 : i32
    return %mul3A_0, %c0_i32, %c0_i32_1 : i32, i32, i32
  }
  func.func @transform_1(%arg0: i32) -> (i32, i32, i32) {
    %mul3A = arith.constant 4 : i32
    %mul3A_0 = arith.muli %mul3A, %arg0 : i32
    %add3A = arith.constant 1 : i32
    %add3A_1 = arith.addi %mul3A_0, %add3A : i32
    %c0_i32 = arith.constant 0 : i32
    %c0_i32_2 = arith.constant 0 : i32
    %c0_i32_3 = arith.constant 0 : i32
    return %add3A_1, %c0_i32, %c0_i32_2 : i32, i32, i32
  }
  func.func @transform_2(%arg0: i32) -> (i32, i32, i32) {
    %mul3A = arith.constant 4 : i32
    %mul3A_0 = arith.muli %mul3A, %arg0 : i32
    %add3A = arith.constant 2 : i32
    %add3A_1 = arith.addi %mul3A_0, %add3A : i32
    %c0_i32 = arith.constant 0 : i32
    %c0_i32_2 = arith.constant 0 : i32
    %c0_i32_3 = arith.constant 0 : i32
    return %add3A_1, %c0_i32, %c0_i32_2 : i32, i32, i32
  }
  func.func @transform_3(%arg0: i32) -> (i32, i32, i32) {
    %mul3A = arith.constant 4 : i32
    %mul3A_0 = arith.muli %mul3A, %arg0 : i32
    %add3A = arith.constant 3 : i32
    %add3A_1 = arith.addi %mul3A_0, %add3A : i32
    %c0_i32 = arith.constant 0 : i32
    %c0_i32_2 = arith.constant 0 : i32
    %c0_i32_3 = arith.constant 0 : i32
    return %add3A_1, %c0_i32, %c0_i32_2 : i32, i32, i32
  }
  func.func @transform_4(%arg0: i32) -> (i32, i32) {
    %c0_i32 = arith.constant 0 : i32
    %c0_i32_0 = arith.constant 0 : i32
    return %c0_i32, %arg0 : i32, i32
  }
  func.func @transform_5(%arg0: i32) -> (i32, i32) {
    %c0_i32 = arith.constant 0 : i32
    %c0_i32_0 = arith.constant 0 : i32
    %c0_i32_1 = arith.constant 0 : i32
    return %c0_i32, %c0_i32_0 : i32, i32
  }
  func.func @transform_6(%arg0: i32) -> (i32, i32) {
    %c0_i32 = arith.constant 0 : i32
    %c0_i32_0 = arith.constant 0 : i32
    %c0_i32_1 = arith.constant 0 : i32
    return %c0_i32, %c0_i32_0 : i32, i32
  }
  func.func @transform_7(%arg0: i32) -> (i32, i32, i32) {
    %c0_i32 = arith.constant 0 : i32
    %c0_i32_0 = arith.constant 0 : i32
    %c0_i32_1 = arith.constant 0 : i32
    %c0_i32_2 = arith.constant 0 : i32
    return %c0_i32, %c0_i32_0, %c0_i32_1 : i32, i32, i32
  }
  func.func @transform_8(%arg0: i32) -> (i32, i32) {
    %c0_i32 = arith.constant 0 : i32
    %c0_i32_0 = arith.constant 0 : i32
    return %arg0, %c0_i32 : i32, i32
  }
}

</mosaic_0001>

<sc_bundles>
// kernel: kernel.4.cloned.1.call-start
scs
__scs_entry_jumppad:
0x0: {  	(pc) =	sbr.rel $0x88, $3  }
0x1: {  	(tag) =	ssettag $0x0;
	lr =	simm.s32 $0x1  }
0x2: {  	[smem:$0x3F9B] =	sst lr;
	_ =	strace $0xD0000000  }
0x3: {  	_ = 	snop  }
0x4: {  	_ = 	snop  }
0x5: {  	_ = 	snop  }
0x6: {  	_ = 	snop  }
0x7: {  	_ = 	snop  }
__scs_overlays_trampoline_lowered:
0x8: {  	[smem:$0x3FAA] =	sst s0  }
0x9: {  	[smem:$0x3FAB] =	sst s1  }
0xa: {  	[smem:$0x3FAC] =	sst s2  }
0xb: {  	[smem:$0x3FAD] =	sst s3  }
0xc: {  	[smem:$0x3FAE] =	sst s4  }
0xd: {  	[smem:$0x3FAF] =	sst s5  }
0xe: {  	[smem:$0x3FB0] =	sst s6  }
0xf: {  	[smem:$0x3FB1] =	sst s7  }
0x10: {  	[smem:$0x3FB2] =	sst s8  }
0x11: {  	[smem:$0x3FB3] =	sst s9;
	s0 =	simm.s32 @!p0 $0x0  }
0x12: {  	s1 =	sld [smem:$0x3F99];
	s0 =	simm.s32 @p0 $0x1  }
0x13: {  	[smem:$0x3FB4] =	sst s0;
	s0 =	simm.s32 @!p1 $0x0  }
0x14: {  	s2 =	sld [smem:$0x3F98];
	s0 =	simm.s32 @p1 $0x1  }
0x15: {  	[smem:$0x3FB5] =	sst s0;
	s0 =	simm.s32 @!p2 $0x0  }
0x16: {  	s3 =	sld [smem:$0x3FDB];
	s0 =	simm.s32 @p2 $0x1  }
0x17: {  	s4 =	simm.s32 $0x1BF5;
	[smem:$0x3FB7] =	sst s0  }
0x18: {  	s0 =	sld [smem:$0x3F9A];
	_ =	swait.ge [sflag:s4], $0x0  }
0x19: {  	s7 =	sld [smem:$0x3F9B]  }
0x1a: {  	s8 =	sadd.s32 $0xFFFFE003, lr  }
0x1b: {  	s9 =	sadd.s32 $0xFFFFFEF7, lr;
	s5 =	simm.s32 $0xFFFFFFFF;
	p2 =	slt.u32 s8, $0xFFFFF086  }
0x1c: {  	p1 =	slt.u32 s9, $0xF7A;
	s5 =	simm.s32 @!p2 $0x0  }
0x1d: {  	s5 =	simm.s32 @p1 $0x1;
	p0 =	seq.s32 s7, s2  }
0x1e: {  	s7 =	smul.u32 @!p0 $0xF7A, s2;
	p2 =	seq.s32 @!p0 s5, $0x0  }
0x1f: {  	s9 =	smul.u32 $0xF7A, s1;
	s8 =	simm.s32 @!p0 $0x1BF5;
	p2 =	por !p2, p0  }
0x20: {  	[sflag:s8] =	ssyncset.s32 @!p0 $0xFFFFF086;
	s6 =	sadd.s32 @!p0 s3, s7;
	s7 =	simm.s32 @!p0 $0x108  }
0x21: {  	s3 =	sadd.s32 s3, s9;
	s6 =	sadd.s32 @!p0 $0x88, s6;
	s7 =	simm.s32 @p2 $0x1082  }
0x22: {  	[simem:s7], [sflag:s8] =	dma.local @!p0 [hbm:s6], $0xF7A  }
0x23: {  	s9 =	sor.u32 $0xD0000000, s2;
	s6 =	simm.s32 $0x108;
	_ =	swait.ge @!p0 [sflag:s8], $0x0  }
0x24: {  	s3 =	sadd.s32 $0x88, s3;
	s6 =	simm.s32 @!p1 $0x1082;
	[sflag:s4] =	ssyncset.s32 $0xFFFFF086  }
0x25: {  	[simem:s6], [sflag:s4] =	dma.local [hbm:s3], $0xF7A  }
0x26: {  	[smem:$0x3F9B] =	sst s1;
	(tag) =	ssettag s2;
	_ =	strace s9  }
0x27: {  	s1 =	sld [smem:$0x3FAB]  }
0x28: {  	s2 =	sld [smem:$0x3FAC]  }
0x29: {  	s4 =	sld [smem:$0x3FAE]  }
0x2a: {  	p0 =	seq.s32 s5, $0x0;
	s5 =	sld [smem:$0x3FAF]  }
0x2b: {  	s6 =	sld [smem:$0x3FB0]  }
0x2c: {  	s7 =	sld [smem:$0x3FB1]  }
0x2d: {  	s3 =	simm.s32 $0x108;
	s8 =	sld [smem:$0x3FB2]  }
0x2e: {  	s3 =	simm.s32 @!p0 $0x1082;
	s9 =	sld [smem:$0x3FB3]  }
0x2f: {  	lr =	sadd.s32 s0, s3;
	s0 =	sld [smem:$0x3FAA]  }
0x30: {  	s3 =	sld [smem:$0x3FAD]  }
0x31: {  	[smem:$0x3FB6] =	sst s10  }
0x32: {  	s10 =	sld [smem:$0x3FB4];
	_ =	sdelay $0x3  }
0x33: {  	p0 =	seq.s32 s10, $0x1;
	s10 =	sld [smem:$0x3FB6];
	_ =	sdelay $0x3  }
0x34: {  	[smem:$0x3FB6] =	sst s10  }
0x35: {  	s10 =	sld [smem:$0x3FB5];
	_ =	sdelay $0x3  }
0x36: {  	p1 =	seq.s32 s10, $0x1;
	s10 =	sld [smem:$0x3FB6];
	_ =	sdelay $0x3  }
0x37: {  	[smem:$0x3FB6] =	sst s10  }
0x38: {  	s10 =	sld [smem:$0x3FB7]  }
0x39: {  	_ = 	snop;
	(pc) =	sbr.ind lr, $3  }
0x3a: {  	_ = 	snop  }
0x3b: {  	_ = 	snop  }
0x3c: {  	p2 =	seq.s32 s10, $0x1;
	s10 =	sld [smem:$0x3FB6]  }
0x3d: {  	_ =	shalt  }
0x3e: {  	_ =	shalt  }
0x3f: {  	_ =	shalt  }
0x40: {  	_ =	shalt  }
0x41: {  	_ =	shalt  }
0x42: {  	_ =	shalt  }
0x43: {  	_ =	shalt  }
0x44: {  	_ =	shalt  }
0x45: {  	_ =	shalt  }
0x46: {  	_ =	shalt  }
0x47: {  	_ =	shalt  }
0x48: {  	_ =	shalt  }
0x49: {  	_ =	shalt  }
0x4a: {  	_ =	shalt  }
0x4b: {  	_ =	shalt  }
0x4c: {  	_ =	shalt  }
0x4d: {  	_ =	shalt  }
0x4e: {  	_ =	shalt  }
0x4f: {  	_ =	shalt  }
0x50: {  	_ =	shalt  }
0x51: {  	_ =	shalt  }
0x52: {  	_ =	shalt  }
0x53: {  	_ =	shalt  }
0x54: {  	_ =	shalt  }
0x55: {  	_ =	shalt  }
0x56: {  	_ =	shalt  }
0x57: {  	_ =	shalt  }
0x58: {  	_ =	shalt  }
0x59: {  	_ =	shalt  }
0x5a: {  	_ =	shalt  }
0x5b: {  	_ =	shalt  }
0x5c: {  	_ =	shalt  }
0x5d: {  	_ =	shalt  }
0x5e: {  	_ =	shalt  }
0x5f: {  	_ =	shalt  }
0x60: {  	_ =	shalt  }
0x61: {  	_ =	shalt  }
0x62: {  	_ =	shalt  }
0x63: {  	_ =	shalt  }
0x64: {  	_ =	shalt  }
0x65: {  	_ =	shalt  }
0x66: {  	_ =	shalt  }
0x67: {  	_ =	shalt  }
0x68: {  	_ =	shalt  }
0x69: {  	_ =	shalt  }
0x6a: {  	_ =	shalt  }
0x6b: {  	_ =	shalt  }
0x6c: {  	_ =	shalt  }
0x6d: {  	_ =	shalt  }
0x6e: {  	_ =	shalt  }
0x6f: {  	_ =	shalt  }
0x70: {  	_ =	shalt  }
0x71: {  	_ =	shalt  }
0x72: {  	_ =	shalt  }
0x73: {  	_ =	shalt  }
0x74: {  	_ =	shalt  }
0x75: {  	_ =	shalt  }
0x76: {  	_ =	shalt  }
0x77: {  	_ =	shalt  }
0x78: {  	_ =	shalt  }
0x79: {  	_ =	shalt  }
0x7a: {  	_ =	shalt  }
0x7b: {  	_ =	shalt  }
0x7c: {  	_ =	shalt  }
0x7d: {  	_ =	shalt  }
0x7e: {  	_ =	shalt  }
0x7f: {  	_ =	shalt  }
0x80: {  	_ =	shalt  }
0x81: {  	_ =	shalt  }
0x82: {  	_ =	shalt  }
0x83: {  	_ =	shalt  }
0x84: {  	_ =	shalt  }
0x85: {  	_ =	shalt  }
0x86: {  	_ =	shalt  }
0x87: {  	_ =	shalt  }
.Lfunc_end0:
.L_simem_size_0:
called_computation_lowered:
.L_overlay_start_0:
0x88: {  	s2 =	sld [smem:$0x3FD9]  }
0x89: {  	s3 =	sld [smem:$0x3FFE];
	_ =	sdelay $0x1  }
0x8a: {  	s1 =	srdreg.scid  }
0x8b: {  	s0 =	sand.u32 $0x1, s1  }
0x8c: {  	s17 =	sshll.u32 s0, $0xA;
	s2 =	sadd.s32 s3, s2  }
0x8d: {  	s2 =	sadd.s32 s2, s17  }
0x8e: {  	[smem:$0x3FC2] =	sst s2  }
0x8f: {  	_ = 	snop  }
0x90: {  	s2 =	sld [smem:$0x3FC7]  }
0x91: {  	s18 =	sld [smem:$0x3FD0];
	(tm) =	ssettm $0x1  }
0x92: {  	s4 =	sld [smem:$0x3FFB];
	_ =	sdelay $0x3  }
0x93: {  	_ =	strace s4  }
0x94: {  	s4 =	sld [smem:$0x3FFC];
	_ =	sdelay $0x3  }
0x95: {  	_ =	strace s4  }
0x96: {  	s4 =	sld [smem:$0x3FFD];
	_ =	sdelay $0x3  }
0x97: {  	_ =	strace s4  }
0x98: {  	_ =	strace $0x8FFFFFFF  }
0x99: {  	s19 =	sld [smem:$0x3FDB];
	_ =	sdelay $0x1  }
0x9a: {  	s5 =	simm.s32 $_scs_section_size  }
0x9b: {  	s6 =	simm.s32 $_size__tile_overlayer_lowered;
	s7 =	simm.s32 $_tile_overlayer_lowered  }
0x9c: {  	s22 =	simm.s32 $0x1BFF;
	s21 =	sshll.u32 s7, $0x1;
	s4 =	sadd.s32 s5, s19  }
0x9d: {  	s8 =	simm.s32 $0x0;
	s20 =	sshll.u32 s6, $0x1;
	s6 =	sadd.s32 s21, s4  }
0x9e: {  	[timem:s8], [sflag:s22] =	dma.local [hbm:s6], s20  }
0x9f: {  	_ =	swait.ge [sflag:s22], s20  }
0xa0: {  	s5 =	ssub.s32 $0x0, s20;
	[sflag:s22] =	ssyncset.done $0x0  }
0xa1: {  	[sflag:s22] =	ssyncadd.s32 s5;
	_ =	sdelay $0x1  }
0xa2: {  	s23 =	simm.s32 $0x1B8B  }
0xa3: {  	_ =	swait.ge [sflag:s23], $0x1  }
0xa4: {  	[sflag:s23] =	ssyncset.done $0x0  }
0xa5: {  	s25 =	simm.s32 $0x1B8E;
	s24 =	sld [smem:$0x3FFE];
	[sflag:s23] =	ssyncadd.s32 $0xFFFFFFFF  }
0xa6: {  	s26 =	simm.s32 $execute0_lowered;
	[smem:$0x3FD2] =	sst s25  }
0xa7: {  	s6 =	sshll.u32 s26, $0x1;
	_ =	strace $0x80000046;
	[dreg:$0x1] =	wrdreg $0xFFFFFFFF  }
0xa8: {  	s28 =	simm.s32 $_size_execute0_lowered;
	s4 =	sadd.s32 s4, s6;
	[dreg:$0x0] =	wrdreg $0x0  }
0xa9: {  	s6 =	sshll.u32 s28, $0x1;
	[dreg:$0x2] =	wrdreg s4  }
0xaa: {  	[dreg:$0x3] =	wrdreg s6  }
0xab: {  	[dreg:$0x4] =	wrdreg $0xC0  }
0xac: {  	_ =	task [dreg:s8], $0x5FFFF  }
0xad: {  	[dreg:$0x1] =	wrdreg $0xFFFFFFFF  }
0xae: {  	[dreg:$0x0] =	wrdreg $0x60  }
0xaf: {  	[dreg:$0x2] =	wrdreg s2  }
0xb0: {  	[dreg:$0x3] =	wrdreg s24  }
0xb1: {  	[dreg:$0x4] =	wrdreg s18  }
0xb2: {  	[dreg:$0x5] =	wrdreg $0x9  }
0xb3: {  	_ =	task.clear_ibuf [dreg:s8], $0x6FFFF;
	_ =	strace $0x90000046  }
0xb4: {  	s29 =	simm.s32 $0x9;
	_ =	strace $0x80000048  }
0xb5: {  	_ =	swait.ge [sflag:s29], $0x1  }
0xb6: {  	[sflag:s29] =	ssyncadd.s32 $0xFFFFFFFF  }
0xb7: {  	_ =	strace $0x90000048  }
0xb8: {  	_ =	sfence  }
0xb9: {  	s30 =	sld [smem:$0x0];
	_ =	sdelay $0x2  }
0xba: {  	s31 =	sshll.u32 s1, $0xD;
	s1 =	sshrl.u32 s1, $0x2  }
0xbb: {  	s3 =	sand.u32 $0x4000, s31;
	s1 =	sadd.s32 s1, s30  }
0xbc: {  	s0 =	sor.u32 s3, s0;
	s1 =	sshll.u32 s1, $0x11  }
0xbd: {  	s0 =	sor.u32 s1, s0  }
0xbe: {  	s0 =	sadd.s32 $0x8F2B, s0  }
0xbf: {  	[sflag:s0] =	ssyncadd.remote.s32 $0x1  }
0xc0: {  	_ =	sfence.sel $0xFFFF  }
0xc1: {  	[dreg:$0x0] =	wrdreg $0xFFFFFFFF;
	(pc) =	sbr.abs _section_cstart, $3  }
0xc2: {  	[dreg:$0x1] =	wrdreg $0xFFFFFFFF  }
0xc3: {  	_ =	task.clear_ibuf [dreg:s8], $0x2FFFF;
	_ =	strace $0x9FFFFFFF  }
0xc4: {  	(tm) =	ssettm $0x7FFFFFFF  }
0xc5: {  	_ =	shalt  }
tec
execute0_lowered:
.L_overlay_start_1:
0x0: {  	(tag) =	ssettag $0x1  }
0x1: {  	s1 =	rddreg [dreg:$0x0]  }
0x2: {  	s5 =	rddreg [dreg:$0x1]  }
0x3: {  	s3 =	rddreg [dreg:$0x2];
	s4 =	simm.s32 $0x0;
	s31 =	srdreg.scid  }
0x4: {  	s14 =	stileid.u32;
	s13 =	simm.s32 $0x4F;
	s16 =	simm.s32 $0x80  }
0x5: {  	s17 =	simm.s32 $0x2;
	s18 =	simm.s32 $0x2800;
	s19 =	simm.s32 $0x4F80  }
0x6: {  	s20 =	simm.s32 $0x7700;
	s21 =	simm.s32 $0x9E80;
	s22 =	simm.s32 $0xC600  }
0x7: {  	s23 =	simm.s32 $0xED80;
	s24 =	simm.s32 $0x1;
	s25 =	simm.s32 $0x12D80  }
0x8: {  	s26 =	simm.s32 $0x0;
	[smem:$0x7FF] =	sst s4;
	s0 =	sadd.s32 $0x1200, s5  }
0x9: {  	s6 =	sadd.s32 $0x1800, s5;
	s7 =	sadd.s32 $0x1E00, s5;
	s9 =	sadd.s32 $0xC00, s5  }
0xa: {  	_ =	strace $0x80000047;
	[dreg:$0x4] =	wrdreg s0;
	s0 =	sand.u32 $0x1, s31  }
0xb: {  	s10 =	sadd.s32 $0x600, s5;
	s11 =	sadd.s32 $0x50600, s5;
	s2 =	ssub.s32 $0x2, s0  }
0xc: {  	s12 =	sadd.s32 $0x2400, s5;
	p0 =	slt.u32 s14, $0x2;
	s8 =	sshrl.u32 s2, $0x1  }
0xd: {  	s14 =	sshll.u32 s14, $0x8;
	s0 =	sshll.u32 s0, $0x7;
	s2 =	ssub.s32 s2, s8  }
0xe: {  	v0 =	vimm.f32 $1.000000000e+00;
	v1 =	vimm.f32 $0.0e+00;
	s13 =	simm.s32 @!p0 $0x4E;
	s14 =	sor.u32 s0, s14;
	s15 =	smax.u32 s2, $0x1  }
.LBB2_1:
0xf: {  	s0 =	rddreg [dreg:$0x4]  }
0x10: {  	[tilespmem:s16], [sflag:$0x2] =	stream.linear.gather [hbm4b:s0+s4], $0x2780, $0x38;
	[tilespmem:$0x13180] =	vst v63  }
0x11: {  	_ =	swait.ge [sflag:s17], $0x2780  }
0x12: {  	[sflag:s17] =	ssyncset.done $0x0  }
0x13: {  	[sflag:s17] =	ssyncadd.s32 $0xFFFFD880  }
0x14: {  	[tilespmem:s18], [sflag:$0x2] =	stream.linear.gather [hbm4b:s6+s4], $0x2780, $0x38;
	[tilespmem:$0x13180] =	vst v63  }
0x15: {  	_ =	swait.ge [sflag:s17], $0x2780  }
0x16: {  	[sflag:s17] =	ssyncset.done $0x0  }
0x17: {  	[sflag:s17] =	ssyncadd.s32 $0xFFFFD880  }
0x18: {  	[tilespmem:s19], [sflag:$0x2] =	stream.linear.gather [hbm4b:s7+s4], $0x2780, $0x38;
	[tilespmem:$0x13180] =	vst v63  }
0x19: {  	_ =	swait.ge [sflag:s17], $0x2780  }
0x1a: {  	[sflag:s17] =	ssyncset.done $0x0  }
0x1b: {  	[sflag:s17] =	ssyncadd.s32 $0xFFFFD880  }
0x1c: {  	[tilespmem:s20], [sflag:$0x2] =	stream.linear.gather [hbm4b:s9+s4], $0x2780, $0x38;
	[tilespmem:$0x13180] =	vst v63  }
0x1d: {  	_ =	swait.ge [sflag:s17], $0x2780  }
0x1e: {  	[sflag:s17] =	ssyncset.done $0x0  }
0x1f: {  	[sflag:s17] =	ssyncadd.s32 $0xFFFFD880  }
0x20: {  	[tilespmem:s21], [sflag:$0x2] =	stream.linear.gather [hbm4b:s10+s4], $0x2780, $0x38;
	[tilespmem:$0x13180] =	vst v63  }
0x21: {  	_ =	swait.ge [sflag:s17], $0x2780  }
0x22: {  	[sflag:s17] =	ssyncset.done $0x0  }
0x23: {  	[sflag:s17] =	ssyncadd.s32 $0xFFFFD880  }
0x24: {  	s31 =	rddreg [dreg:$0x1]  }
0x25: {  	[tilespmem:s22], [sflag:$0x2] =	stream.linear.gather [hbm4b:s31+s4], $0x2780, $0x38;
	[tilespmem:$0x13180] =	vst v63  }
0x26: {  	_ =	swait.ge [sflag:s17], $0x2780  }
0x27: {  	[sflag:s17] =	ssyncset.done $0x0  }
0x28: {  	[sflag:s17] =	ssyncadd.s32 $0xFFFFD880  }
0x29: {  	[tilespmem:$0x13080] =	vst v0  }
0x2a: {  	[tilespmem:$0x13100] =	vst v1  }
0x2b: {  	[tilespmem:$0x13090] =	vst v0  }
0x2c: {  	[tilespmem:$0x13110] =	vst v1  }
0x2d: {  	[tilespmem:$0x130A0] =	vst v0  }
0x2e: {  	[tilespmem:$0x13120] =	vst v1  }
0x2f: {  	[tilespmem:$0x130B0] =	vst v0  }
0x30: {  	[tilespmem:$0x13130] =	vst v1  }
0x31: {  	[tilespmem:$0x130C0] =	vst v0  }
0x32: {  	[tilespmem:$0x13140] =	vst v1  }
0x33: {  	[tilespmem:$0x130D0] =	vst v0  }
0x34: {  	[tilespmem:$0x13150] =	vst v1  }
0x35: {  	[tilespmem:$0x130E0] =	vst v0  }
0x36: {  	[tilespmem:$0x13160] =	vst v1  }
0x37: {  	[tilespmem:$0x130F0] =	vst v0  }
0x38: {  	s28 =	smov.u32 s14;
	s29 =	simm.s32 $0x0;
	[tilespmem:$0x13170] =	vst v1  }
.LBB2_2:
0x39: {  	s0 =	sshll.u32 s29, $0xC  }
0x3a: {  	s30 =	sor.u32 s14, s0  }
0x3b: {  	s0 =	sshrl.u32 s30, $0x3  }
0x3c: {  	s2 =	simm.s32 $0x0;
	s0 =	sadd.s32 s3, s0  }
0x3d: {  	[tilespmem:s2], [sflag:$0x2] =	stream.linear.gather [hbm4b:s0+s2], $0x80, $0x38;
	[tilespmem:$0x13180] =	vst v63  }
0x3e: {  	_ =	swait.ge [sflag:s17], $0x80  }
0x3f: {  	[sflag:s17] =	ssyncset.done $0x0  }
0x40: {  	s31 =	simm.s32 $0x0;
	v2 =	vmov s28;
	[sflag:s17] =	ssyncadd.s32 $0xFFFFFF80  }
0x41: {  	v2 =	vshrl.u32 v2, $0x5;
	[tilespmem:s23], [sflag:$0x1] =	stream.indirect.gather [hbm4b:s1+s16], $0x80, s2, s16, $0xb8;
	[tilespmem:$0x13180] =	vst v63  }
0x42: {  	v2 =	vbroadcast v2, $0x0;
	v5 =	vld [tilespmem:s31+$0x0];
	_ =	sdelay $0x5  }
0x43: {  	v4 =	vld.idx.msk [tilespmem:v2+s20+$0x0], $0xffff  }
0x44: {  	v6 =	vld.idx.msk [tilespmem:v2+s22+$0x0], $0xffff  }
0x45: {  	v7 =	vld.idx.msk [tilespmem:v5+s16+$0x0], $0xffff  }
0x46: {  	v2 =	vld.idx.msk [tilespmem:v2+s21+$0x0], $0xffff  }
0x47: {  	v3 =	vld.idx.msk [tilespmem:v5+s19+$0x0], $0xffff  }
0x48: {  	s8 =	sadd.s32 $0x10, s28;
	s0 =	simm.s32 $0x10;
	s2 =	simm.s32 $0x80;
	v5 =	vld.idx.msk [tilespmem:v5+s18+$0x0], $0xffff  }
.LBB2_3:
0x49: {  	p0 =	sne.s32 s2, $0x1C0;
	s5 =	smov.u32 s2;
	s2 =	sadd.s32 $0x40, s2  }
0x4a: {  	v4 =	vsub.f32 v7, v4  }
0x4b: {  	v7 =	vmov s8  }
0x4c: {  	v7 =	vshrl.u32 v7, $0x5;
	v3 =	vsub.f32 v3, v6;
	v8 =	vld [tilespmem:s0+$0x0];
	[tilespmem:s31+$0x12D80] =	vst v4;
	v4 =	vmul.f32 v4, v4  }
0x4d: {  	v9 =	vbroadcast v7, $0x0  }
0x4e: {  	v2 =	vsub.f32 v5, v2;
	[tilespmem:s31+$0x12E80] =	vst v3;
	v3 =	vmul.f32 v3, v3  }
0x4f: {  	[tilespmem:s31+$0x12F00] =	vst v4  }
0x50: {  	[tilespmem:s31+$0x12E00] =	vst v2;
	v2 =	vmul.f32 v2, v2  }
0x51: {  	[tilespmem:s31+$0x13000] =	vst v3  }
0x52: {  	[tilespmem:s31+$0x12F80] =	vst v2;
	s31 =	smov.u32 s0  }
0x53: {  	v4 =	vld.idx.msk [tilespmem:v9+s20+$0x0], $0xffff  }
.Ltmp0:
0x54: {  	s8 =	sadd.s32 $0x10, s8;
	v7 =	vld.idx.msk [tilespmem:v8+s16+$0x0], $0xffff;
	(pc) =	sbr.rel @p0 .LBB2_3-.Ltmp0, $4  }
0x55: {  	v3 =	vld.idx.msk [tilespmem:v8+s19+$0x0], $0xffff  }
0x56: {  	s0 =	sshra.s32 s5, $0x2;
	v6 =	vld.idx.msk [tilespmem:v9+s22+$0x0], $0xffff  }
0x57: {  	v2 =	vld.idx.msk [tilespmem:v9+s21+$0x0], $0xffff  }
0x58: {  	v5 =	vld.idx.msk [tilespmem:v8+s18+$0x0], $0xffff  }
0x59: {  	_ = 	snop  }
0x5a: {  	v4 =	vsub.f32 v7, v4;
	v59 =	vmov s8  }
0x5b: {  	v8 =	vld [tilespmem:s0+$0x0];
	v7 =	vshrl.u32 v59, $0x5;
	v3 =	vsub.f32 v3, v6  }
0x5c: {  	[tilespmem:s31+$0x12D80] =	vst v4;
	v4 =	vmul.f32 v4, v4;
	v60 =	vbroadcast v7, $0x0  }
0x5d: {  	v2 =	vsub.f32 v5, v2;
	[tilespmem:s31+$0x12E80] =	vst v3  }
0x5e: {  	v3 =	vmul.f32 v3, v3;
	[tilespmem:s31+$0x12F00] =	vst v4  }
0x5f: {  	[tilespmem:s31+$0x12E00] =	vst v2;
	v2 =	vmul.f32 v2, v2  }
0x60: {  	[tilespmem:s31+$0x13000] =	vst v3  }
0x61: {  	[tilespmem:s31+$0x12F80] =	vst v2  }
0x62: {  	v2 =	vld.idx.msk [tilespmem:v60+s20+$0x0], $0xffff  }
0x63: {  	v3 =	vld.idx.msk [tilespmem:v8+s16+$0x0], $0xffff  }
0x64: {  	v4 =	vld.idx.msk [tilespmem:v8+s19+$0x0], $0xffff  }
0x65: {  	v61 =	vld.idx.msk [tilespmem:v60+s22+$0x0], $0xffff  }
0x66: {  	v6 =	vld.idx.msk [tilespmem:v60+s21+$0x0], $0xffff  }
0x67: {  	v62 =	vld.idx.msk [tilespmem:v8+s18+$0x0], $0xffff;
	_ =	sdelay $0x2  }
0x68: {  	v2 =	vsub.f32 v3, v2  }
0x69: {  	v3 =	vsub.f32 v4, v61  }
0x6a: {  	v63 =	vsub.f32 v62, v6;
	[tilespmem:s0+$0x12D80] =	vst v2  }
0x6b: {  	v2 =	vmul.f32 v2, v2;
	[tilespmem:s0+$0x12E80] =	vst v3  }
0x6c: {  	v3 =	vmul.f32 v3, v3;
	[tilespmem:s0+$0x12E00] =	vst v63  }
0x6d: {  	[tilespmem:s0+$0x12F00] =	vst v2;
	v2 =	vmul.f32 v63, v63  }
0x6e: {  	[tilespmem:s0+$0x13000] =	vst v3  }
0x6f: {  	[tilespmem:s0+$0x12F80] =	vst v2  }
0x70: {  	_ =	swait.ge [sflag:s24], $0x4000  }
0x71: {  	s8 =	sshll.u32 s30, $0x4;
	[sflag:s24] =	ssyncset.done $0x0  }
0x72: {  	s0 =	sadd.s32 s11, s8;
	[sflag:s24] =	ssyncadd.s32 $0xFFFFC000  }
0x73: {  	[hbm4b:s0+s4] =	stream.linear.scatter [tilespmem:s23], [sflag:$0x2], $0x4000, $0x38;
	[tilespmem:$0x13180] =	vst v63  }
0x74: {  	s29 =	sadd.s32 $0x1, s29;
	_ =	swait.ge [sflag:s17], $0x4000  }
0x75: {  	p0 =	sne.s32 s29, s13;
	[sflag:s17] =	ssyncset.done $0x0  }
.Ltmp1:
0x76: {  	s31 =	sadd.s32 s12, s30;
	[sflag:s17] =	ssyncadd.s32 $0xFFFFC000;
	(pc) =	sbr.rel @p0 .LBB2_2-.Ltmp1, $4  }
0x77: {  	[hbm4b:s31+s4] =	stream.linear.scatter [tilespmem:s25], [sflag:$0x2], $0x400, $0x38;
	[tilespmem:$0x13180] =	vst v63  }
0x78: {  	_ =	swait.ge [sflag:s17], $0x400  }
0x79: {  	[sflag:s17] =	ssyncset.done $0x0  }
0x7a: {  	s28 =	sadd.s32 $0x1000, s28;
	[sflag:s17] =	ssyncadd.s32 $0xFFFFFC00  }
0x7b: {  	s26 =	sadd.s32 $0x1, s26  }
0x7c: {  	p0 =	sne.s32 s26, s15  }
.Ltmp2:
0x7d: {  	_ = 	snop;
	(pc) =	sbr.rel @p0 .LBB2_1-.Ltmp2, $1  }
0x7e: {  	_ =	sdelay $0x3  }
0x7f: {  	_ =	sfence.sel $0x180000  }
0x80: {  	[bflag:$0x0] =	sbarrier.arrive $0xFFFF  }
0x81: {  	_ =	strace $0x90000047  }
0x82: {  	s0 =	stileid.u32;
	[bflag:$0x2] =	sbarrier.arrive $0xFFFF  }
0x83: {  	p0 =	sne.s32 s0, $0x0;
	s0 =	rddreg [dreg:$0x3]  }
0x84: {  	s0 =	sadd.s32 @!p0 $0x100000, s0  }
0x85: {  	[sflag:s0] =	ssyncadd.tile.s32 @!p0 $0x1;
	_ =	shalt  }
.Lfunc_end2:
_tile_overlayer_lowered:
.L_overlay_start_2:
0x86: {  	(tag) =	ssettag $0x2  }
0x87: {  	s0 =	rddreg [dreg:$0x0];
	s2 =	stileid.u32  }
0x88: {  	s1 =	rddreg [dreg:$0x1];
	p0 =	sne.s32 s2, $0x0  }
0x89: {  	s3 =	rddreg [dreg:$0x2];
	[bflag:$0x3] =	sbarrier.arrive $0xFFFF;
	s2 =	simm.s32 @!p0 $0x1C02  }
0x8a: {  	[timem:s3], [sflag:s2] =	dma.local @!p0 [hbm:s0], s1  }
0x8b: {  	s0 =	simm.s32 @!p0 $0x2  }
0x8c: {  	_ =	swait.ge @!p0 [sflag:s0], s1  }
0x8d: {  	s1 =	ssub.s32 @!p0 $0x0, s1;
	[sflag:s0] =	ssyncset.done @!p0 $0x0  }
0x8e: {  	[sflag:s0] =	ssyncadd.s32 @!p0 s1  }
0x8f: {  	[bflag:$0x3] =	sbarrier.arrive $0xFFFF  }
0x90: {  	_ =	shalt  }

</sc_bundles>
